<compile_context>
chip_gen: v7x
topology: tpu7x:2x2x1
jax: 0.10.2.dev20260603
libtpu: 0.0.44.dev20260713+nightly
codegen_flags: <defaults>
</compile_context>

<pallas_src>
import functools

import jax
import jax.numpy as jnp
from jax import lax
from jax.experimental import pallas as pl
from jax.experimental.pallas import tpu as pltpu
from jax.experimental.pallas import tpu_sc as plsc

N_NODES = 10000
N_EDGES = 320000
D_FEAT = 128
HIDDEN = 64
N_CLASSES = 10
NUM_GRAPHS = 64

_NC = 2
_NS = 16
_NW = _NC * _NS
_EPT = N_EDGES // _NW
_CH = 128
_NCH = 78
_NPAIRS = _NCH // 2
_TAIL = _EPT - _NCH * _CH
_EROWS = N_EDGES // _CH
_NPAD = 10240
_SLAB = _NPAD // _NS


@functools.lru_cache(maxsize=None)
def _make_sc_agg(width, dtype=jnp.float32):
    mesh = plsc.VectorSubcoreMesh(core_axis_name="c", subcore_axis_name="s")

    @functools.partial(
        pl.kernel,
        mesh=mesh,
        compiler_params=pltpu.CompilerParams(use_tc_tiling_on_sc=False),
        out_type=jax.ShapeDtypeStruct((_NC, _NPAD, width), dtype),
        scratch_types=[
            pltpu.VMEM_SHARED((_NPAD, width), dtype),
            pltpu.VMEM((_SLAB, width), dtype),
            pltpu.VMEM((_NCH, _CH), jnp.int32),
            pltpu.VMEM((_NCH, _CH), jnp.int32),
            pltpu.VMEM((_TAIL,), jnp.int32),
            pltpu.VMEM((_TAIL,), jnp.int32),
            pltpu.VMEM((_CH, width), dtype),
            pltpu.VMEM((_CH, width), dtype),
            pltpu.VMEM((_TAIL, width), dtype),
            pltpu.SemaphoreType.DMA,
            pltpu.SemaphoreType.DMA,
            pltpu.SemaphoreType.DMA,
            pltpu.SemaphoreType.DMA,
        ],
    )
    def agg(tbl_hbm, src_hbm, dst_hbm, zrow_hbm, out_hbm,
            acc_sh, vbuf, sblk, dblk, st, dt, r0, r1, rt,
            sg0, sg1, ss0, ss1):
        c = lax.axis_index("c")
        s = lax.axis_index("s")
        slab = s * _SLAB
        wid = c * _NS + s
        pltpu.sync_copy(zrow_hbm, vbuf)
        pltpu.sync_copy(vbuf, acc_sh.at[pl.ds(slab, _SLAB)])
        pltpu.sync_copy(src_hbm.at[pl.ds(wid * _NCH, _NCH)], sblk)
        pltpu.sync_copy(dst_hbm.at[pl.ds(wid * _NCH, _NCH)], dblk)
        tr = _NW * _NCH + wid * _TAIL // _CH
        tc0 = (wid * _TAIL) % _CH
        pltpu.sync_copy(src_hbm.at[tr, pl.ds(tc0, _TAIL)], st)
        pltpu.sync_copy(dst_hbm.at[tr, pl.ds(tc0, _TAIL)], dt)
        plsc.subcore_barrier()

        pltpu.async_copy(tbl_hbm.at[sblk.at[0]], r0, sg0)

        def step(j, carry):
            i = 2 * j
            pltpu.make_async_copy(tbl_hbm.at[sblk.at[i]], r0, sg0).wait()
            sc0 = pltpu.async_copy(r0, acc_sh.at[dblk.at[i]], ss0, add=True)
            pltpu.async_copy(tbl_hbm.at[sblk.at[i + 1]], r1, sg1)
            sc0.wait()
            pltpu.make_async_copy(tbl_hbm.at[sblk.at[i + 1]], r1, sg1).wait()
            sc1 = pltpu.async_copy(r1, acc_sh.at[dblk.at[i + 1]], ss1, add=True)

            @pl.when(j < _NPAIRS - 1)
            def _():
                pltpu.async_copy(tbl_hbm.at[sblk.at[i + 2]], r0, sg0)

            sc1.wait()
            return carry

        lax.fori_loop(0, _NPAIRS, step, 0)
        pltpu.sync_copy(tbl_hbm.at[st], rt)
        pltpu.sync_copy(rt, acc_sh.at[dt], add=True)
        plsc.subcore_barrier()
        pltpu.sync_copy(acc_sh.at[pl.ds(slab, _SLAB)], vbuf)
        pltpu.sync_copy(vbuf, out_hbm.at[c, pl.ds(slab, _SLAB)])

    return agg


def _tc1_body(x_ref, wl_ref, wr_ref, b1_ref, y96_ref, yr_ref):
    x = x_ref[...]
    y = jnp.dot(x, wl_ref[...], preferred_element_type=jnp.float32,
                precision=lax.Precision.HIGHEST)
    ones = jnp.ones((N_NODES, 32), jnp.float32)
    y96 = jnp.concatenate([y, ones], axis=1)
    pad = jnp.zeros((_NPAD - N_NODES, HIDDEN + 32), jnp.float32)
    y96_ref[...] = jnp.concatenate([y96, pad], axis=0).astype(jnp.bfloat16)
    yr_ref[...] = jnp.dot(x, wr_ref[...], preferred_element_type=jnp.float32,
                precision=lax.Precision.HIGHEST) + b1_ref[...]


def _bn_relu(h, g, b):
    mu = jnp.mean(h, axis=0, keepdims=True)
    var = jnp.mean((h - mu) * (h - mu), axis=0, keepdims=True)
    return jnp.maximum((h - mu) * lax.rsqrt(var + 1e-5) * g + b, 0.0)


def _tc2_body(sums_ref, yr_ref, g1_ref, be1_ref, wl_ref, wr_ref, b2_ref,
              z80_ref, zr_ref, r64_ref):
    s = (sums_ref[0, :N_NODES, :].astype(jnp.float32)
         + sums_ref[1, :N_NODES, :].astype(jnp.float32))
    cnt = s[:, HIDDEN:HIDDEN + 16]
    r = 1.0 / jnp.maximum(cnt, 1.0)
    r64 = jnp.concatenate([r, r, r, r], axis=1)
    h = s[:, :HIDDEN] * r64 + yr_ref[...]
    h = _bn_relu(h, g1_ref[...], be1_ref[...])
    z = jnp.dot(h, wl_ref[...], preferred_element_type=jnp.float32,
                precision=lax.Precision.HIGHEST)
    pad = jnp.zeros((_NPAD - N_NODES, HIDDEN), jnp.float32)
    z80_ref[...] = jnp.concatenate([z, pad], axis=0).astype(jnp.bfloat16)
    zr_ref[...] = jnp.dot(h, wr_ref[...], preferred_element_type=jnp.float32,
                precision=lax.Precision.HIGHEST) + b2_ref[...]
    r64_ref[...] = r64


def _tc3_body(sums_ref, zr_ref, r64_ref, g2_ref, be2_ref, batch_ref,
              wc1_ref, bc1_ref, gc_ref, bec_ref, wc2_ref, bc2_ref, out_ref):
    s = (sums_ref[0, :N_NODES, :].astype(jnp.float32)
         + sums_ref[1, :N_NODES, :].astype(jnp.float32))
    h = s * r64_ref[...] + zr_ref[...]
    h = _bn_relu(h, g2_ref[...], be2_ref[...])
    gids = lax.broadcasted_iota(jnp.int32, (NUM_GRAPHS, N_NODES), 0)
    oh = (gids == batch_ref[...]).astype(jnp.float32)
    pooled = jnp.dot(oh, h, preferred_element_type=jnp.float32,
                precision=lax.Precision.HIGHEST)
    cg = jnp.sum(oh, axis=1, keepdims=True)
    pooled = pooled / jnp.maximum(cg, 1.0)
    hc = jnp.dot(pooled, wc1_ref[...], preferred_element_type=jnp.float32,
                precision=lax.Precision.HIGHEST) + bc1_ref[...]
    mu = jnp.mean(hc, axis=0, keepdims=True)
    var = jnp.mean((hc - mu) * (hc - mu), axis=0, keepdims=True)
    hc = jnp.maximum((hc - mu) * lax.rsqrt(var + 1e-5) * gc_ref[...] + bec_ref[...], 0.0)
    logits = jnp.dot(hc, wc2_ref[...], preferred_element_type=jnp.float32,
                precision=lax.Precision.HIGHEST) + bc2_ref[...]
    m = jnp.max(logits, axis=1, keepdims=True)
    lse = m + jnp.log(jnp.sum(jnp.exp(logits - m), axis=1, keepdims=True))
    out_ref[...] = logits - lse


def kernel(x, edge_index, batch, W1_l, W1_r, b1, W2_l, W2_r, b2,
           g1, be1, g2, be2, Wc1, bc1, gc, bec, Wc2, bc2):
    f32 = jnp.float32
    src = edge_index[0].astype(jnp.int32).reshape(_EROWS, _CH)
    dst = edge_index[1].astype(jnp.int32).reshape(_EROWS, _CH)
    batch2d = batch.astype(jnp.int32).reshape(1, N_NODES)
    zrow96 = jnp.zeros((_SLAB, HIDDEN + 32), jnp.bfloat16)
    zrow64 = jnp.zeros((_SLAB, HIDDEN), jnp.bfloat16)

    y96, y1r = pl.pallas_call(
        _tc1_body,
        out_shape=[jax.ShapeDtypeStruct((_NPAD, HIDDEN + 32), jnp.bfloat16),
                   jax.ShapeDtypeStruct((N_NODES, HIDDEN), f32)],
    )(x, W1_l, W1_r, b1.reshape(1, HIDDEN))

    sums1 = _make_sc_agg(HIDDEN + 32, jnp.bfloat16)(y96, src, dst, zrow96)

    z64, z2r, r64 = pl.pallas_call(
        _tc2_body,
        out_shape=[jax.ShapeDtypeStruct((_NPAD, HIDDEN), jnp.bfloat16),
                   jax.ShapeDtypeStruct((N_NODES, HIDDEN), f32),
                   jax.ShapeDtypeStruct((N_NODES, HIDDEN), f32)],
    )(sums1, y1r, g1.reshape(1, HIDDEN), be1.reshape(1, HIDDEN),
      W2_l, W2_r, b2.reshape(1, HIDDEN))

    sums2 = _make_sc_agg(HIDDEN, jnp.bfloat16)(z64, src, dst, zrow64)

    out = pl.pallas_call(
        _tc3_body,
        out_shape=jax.ShapeDtypeStruct((NUM_GRAPHS, N_CLASSES), f32),
    )(sums2, z2r, r64, g2.reshape(1, HIDDEN), be2.reshape(1, HIDDEN),
      batch2d, Wc1, bc1.reshape(1, HIDDEN), gc.reshape(1, HIDDEN),
      bec.reshape(1, HIDDEN), Wc2, bc2.reshape(1, N_CLASSES))
    return out

# --- scband reference (transcript-rebuilt; emitter-appended) ---
"""Pipeline reference for scband-graph-sageclassifier-33346126086715 (READ-ONLY COPY).

The authoritative reference and input builder live on the scoring server;
editing this copy changes nothing except your own understanding.
"""

import jax, jax.numpy as jnp
import numpy as np

N_NODES = 10000
N_EDGES = 320000
D_FEAT = 128
HIDDEN = 64
N_CLASSES = 10
NUM_GRAPHS = 64

def setup_inputs(seed: int = 0) -> dict:
    key = jax.random.key(seed)
    ks = jax.random.split(key, 20)
    x = jax.random.normal(ks[0], (N_NODES, D_FEAT), dtype=jnp.float32)
    edge_index = jax.random.randint(ks[1], (2, N_EDGES), 0, N_NODES, dtype=jnp.int64)
    batch = jnp.sort(jax.random.randint(ks[2], (N_NODES,), 0, NUM_GRAPHS, dtype=jnp.int64))
    s = 0.05
    return {
        'x': x,
        'edge_index': edge_index,
        'batch': batch,
        'W1_l': jax.random.normal(ks[3], (D_FEAT, HIDDEN), dtype=jnp.float32) * s,
        'W1_r': jax.random.normal(ks[4], (D_FEAT, HIDDEN), dtype=jnp.float32) * s,
        'b1': jnp.zeros((HIDDEN,), dtype=jnp.float32),
        'W2_l': jax.random.normal(ks[5], (HIDDEN, HIDDEN), dtype=jnp.float32) * s,
        'W2_r': jax.random.normal(ks[6], (HIDDEN, HIDDEN), dtype=jnp.float32) * s,
        'b2': jnp.zeros((HIDDEN,), dtype=jnp.float32),
        'g1': jnp.ones((HIDDEN,), dtype=jnp.float32),
        'be1': jnp.zeros((HIDDEN,), dtype=jnp.float32),
        'g2': jnp.ones((HIDDEN,), dtype=jnp.float32),
        'be2': jnp.zeros((HIDDEN,), dtype=jnp.float32),
        'Wc1': jax.random.normal(ks[7], (HIDDEN, HIDDEN), dtype=jnp.float32) * s,
        'bc1': jnp.zeros((HIDDEN,), dtype=jnp.float32),
        'gc': jnp.ones((HIDDEN,), dtype=jnp.float32),
        'bec': jnp.zeros((HIDDEN,), dtype=jnp.float32),
        'Wc2': jax.random.normal(ks[8], (HIDDEN, N_CLASSES), dtype=jnp.float32) * s,
        'bc2': jnp.zeros((N_CLASSES,), dtype=jnp.float32),
    }

def _sage_conv(x, edge_index, W_l, W_r, b):
    # PyG SAGEConv with mean aggregation: lin_l(mean_j x_j) + lin_r(x_i)
    src = edge_index[0]
    dst = edge_index[1]
    msgs = jnp.take(x, src, axis=0)                     # gather (SparseCore)
    sums = jax.ops.segment_sum(msgs, dst, num_segments=x.shape[0])  # scatter-add
    cnt = jax.ops.segment_sum(jnp.ones((edge_index.shape[1],), x.dtype), dst, num_segments=x.shape[0])
    mean = sums / jnp.clip(cnt, 1.0)[:, None]
    return mean @ W_l + b + x @ W_r

def _batch_norm(x, gamma, beta, eps=1e-5):
    # training-mode BN with batch statistics (deterministic)
    mu = jnp.mean(x, axis=0)
    var = jnp.var(x, axis=0)
    return (x - mu) / jnp.sqrt(var + eps) * gamma + beta

def _global_mean_pool(x, batch, num_graphs):
    sums = jax.ops.segment_sum(x, batch, num_segments=num_graphs)
    cnt = jax.ops.segment_sum(jnp.ones((x.shape[0],), x.dtype), batch, num_segments=num_graphs)
    return sums / jnp.clip(cnt, 1.0)[:, None]

def reference(x, edge_index, batch, W1_l, W1_r, b1, W2_l, W2_r, b2,
              g1, be1, g2, be2, Wc1, bc1, gc, bec, Wc2, bc2):
    h = _sage_conv(x, edge_index, W1_l, W1_r, b1)
    h = _batch_norm(h, g1, be1)
    h = jax.nn.relu(h)
    # dropout: identity (deterministic eval semantics)
    h = _sage_conv(h, edge_index, W2_l, W2_r, b2)
    h = _batch_norm(h, g2, be2)
    h = jax.nn.relu(h)
    h = _global_mean_pool(h, batch, NUM_GRAPHS)
    h = h @ Wc1 + bc1
    h = _batch_norm(h, gc, bec)
    h = jax.nn.relu(h)
    h = h @ Wc2 + bc2
    return jax.nn.log_softmax(h, axis=1)

if __name__ == "__main__":
    import jax
    _d = setup_inputs()
    print(jax.jit(kernel)(*tuple(_d.values())))

</pallas_src>

<mosaic_0001>
#map = affine_map<(d0, d1) -> (0, 0)>
#map1 = affine_map<(d0, d1) -> (0, 0, 0)>
module attributes {stable_mosaic.version = 14 : i64} {
  func.func @agg(%arg0: i32, %arg1: i32, %arg2: memref<10240x96xbf16, #tpu.memory_space<hbm>>, %arg3: memref<2500x128xi32, #tpu.memory_space<hbm>>, %arg4: memref<2500x128xi32, #tpu.memory_space<hbm>>, %arg5: memref<640x96xbf16, #tpu.memory_space<hbm>>, %arg6: memref<2x10240x96xbf16, #tpu.memory_space<hbm>>, %arg7: memref<10240x96xbf16, #tpu.memory_space<vmem_shared>>, %arg8: memref<640x96xbf16, #tpu.memory_space<vmem>>, %arg9: memref<78x128xi32, #tpu.memory_space<vmem>>, %arg10: memref<78x128xi32, #tpu.memory_space<vmem>>, %arg11: memref<16xi32, #tpu.memory_space<vmem>>, %arg12: memref<16xi32, #tpu.memory_space<vmem>>, %arg13: memref<128x96xbf16, #tpu.memory_space<vmem>>, %arg14: memref<128x96xbf16, #tpu.memory_space<vmem>>, %arg15: memref<16x96xbf16, #tpu.memory_space<vmem>>, %arg16: memref<!tpu.dma_semaphore, #tpu.memory_space<semaphore_mem>>, %arg17: memref<!tpu.dma_semaphore, #tpu.memory_space<semaphore_mem>>, %arg18: memref<!tpu.dma_semaphore, #tpu.memory_space<semaphore_mem>>, %arg19: memref<!tpu.dma_semaphore, #tpu.memory_space<semaphore_mem>>) attributes {dimension_semantics = [#tpu.dimension_semantics<core_parallel>, #tpu.dimension_semantics<subcore_parallel>], iteration_bounds = array<i64: 2, 16>, scalar_prefetch = 0 : i64, scratch_operands = 13 : i64, tpu.core_type = #tpu.core_type<sc_vector_subcore>, window_params = [{transform_indices = #map}, {transform_indices = #map}, {transform_indices = #map}, {transform_indices = #map}, {transform_indices = #map1}]} {
    %mul3A = arith.constant 640 : i32
    %mul3A_0 = arith.muli %arg1, %mul3A : i32
    %mul3A_1 = arith.constant 16 : i32
    %mul3A_2 = arith.muli %arg0, %mul3A_1 : i32
    %add3A = arith.addi %mul3A_2, %arg1 : i32
    "tpu.region"() ({
      %run_scoped3A = tpu.sem_alloc : memref<!tpu.dma_semaphore, #tpu.memory_space<semaphore_mem>>
      tpu.enqueue_dma source(%arg5 : memref<640x96xbf16, #tpu.memory_space<hbm>>) target(%arg8 : memref<640x96xbf16, #tpu.memory_space<vmem>>) target_semaphore(%run_scoped3A : memref<!tpu.dma_semaphore, #tpu.memory_space<semaphore_mem>>)
      tpu.wait_dma2 semaphore(%run_scoped3A : memref<!tpu.dma_semaphore, #tpu.memory_space<semaphore_mem>>) src(%arg5 : memref<640x96xbf16, #tpu.memory_space<hbm>>) dst(%arg8 : memref<640x96xbf16, #tpu.memory_space<vmem>>)
      tpu.yield
    }) : () -> ()
    "tpu.region"() ({
      %run_scoped3A = tpu.sem_alloc : memref<!tpu.dma_semaphore, #tpu.memory_space<semaphore_mem>>
      %dma_start3A_55 = arith.constant 0 : i32
      %dma_start3A_56 = tpu.memref_slice %arg7[%mul3A_0, %dma_start3A_55] : memref<10240x96xbf16, #tpu.memory_space<vmem_shared>> -> memref<640x96xbf16, #tpu.memory_space<vmem_shared>>
      %dma_start3A_57 = arith.constant 0 : i32
      %dma_start3A_58 = tpu.memref_slice %arg7[%mul3A_0, %dma_start3A_57] : memref<10240x96xbf16, #tpu.memory_space<vmem_shared>> -> memref<640x96xbf16, #tpu.memory_space<vmem_shared>>
      tpu.enqueue_dma source(%arg8 : memref<640x96xbf16, #tpu.memory_space<vmem>>) target(%dma_start3A_58 : memref<640x96xbf16, #tpu.memory_space<vmem_shared>>) target_semaphore(%run_scoped3A : memref<!tpu.dma_semaphore, #tpu.memory_space<semaphore_mem>>)
      %dma_wait3A = arith.constant 0 : i32
      %dma_wait3A_59 = tpu.memref_slice %arg7[%mul3A_0, %dma_wait3A] : memref<10240x96xbf16, #tpu.memory_space<vmem_shared>> -> memref<640x96xbf16, #tpu.memory_space<vmem_shared>>
      %dma_wait3A_60 = arith.constant 0 : i32
      %dma_wait3A_61 = tpu.memref_slice %arg7[%mul3A_0, %dma_wait3A_60] : memref<10240x96xbf16, #tpu.memory_space<vmem_shared>> -> memref<640x96xbf16, #tpu.memory_space<vmem_shared>>
      tpu.wait_dma2 semaphore(%run_scoped3A : memref<!tpu.dma_semaphore, #tpu.memory_space<semaphore_mem>>) src(%arg8 : memref<640x96xbf16, #tpu.memory_space<vmem>>) dst(%dma_wait3A_61 : memref<640x96xbf16, #tpu.memory_space<vmem_shared>>)
      tpu.yield
    }) : () -> ()
    %mul3A_3 = arith.constant 78 : i32
    %mul3A_4 = arith.muli %add3A, %mul3A_3 : i32
    "tpu.region"() ({
      %run_scoped3A = tpu.sem_alloc : memref<!tpu.dma_semaphore, #tpu.memory_space<semaphore_mem>>
      %dma_start3A_55 = arith.constant 0 : i32
      %dma_start3A_56 = tpu.memref_slice %arg3[%mul3A_4, %dma_start3A_55] : memref<2500x128xi32, #tpu.memory_space<hbm>> -> memref<78x128xi32, #tpu.memory_space<hbm>>
      %dma_start3A_57 = arith.constant 0 : i32
      %dma_start3A_58 = tpu.memref_slice %arg3[%mul3A_4, %dma_start3A_57] : memref<2500x128xi32, #tpu.memory_space<hbm>> -> memref<78x128xi32, #tpu.memory_space<hbm>>
      tpu.enqueue_dma source(%dma_start3A_58 : memref<78x128xi32, #tpu.memory_space<hbm>>) target(%arg9 : memref<78x128xi32, #tpu.memory_space<vmem>>) target_semaphore(%run_scoped3A : memref<!tpu.dma_semaphore, #tpu.memory_space<semaphore_mem>>)
      %dma_wait3A = arith.constant 0 : i32
      %dma_wait3A_59 = tpu.memref_slice %arg3[%mul3A_4, %dma_wait3A] : memref<2500x128xi32, #tpu.memory_space<hbm>> -> memref<78x128xi32, #tpu.memory_space<hbm>>
      %dma_wait3A_60 = arith.constant 0 : i32
      %dma_wait3A_61 = tpu.memref_slice %arg3[%mul3A_4, %dma_wait3A_60] : memref<2500x128xi32, #tpu.memory_space<hbm>> -> memref<78x128xi32, #tpu.memory_space<hbm>>
      tpu.wait_dma2 semaphore(%run_scoped3A : memref<!tpu.dma_semaphore, #tpu.memory_space<semaphore_mem>>) src(%dma_wait3A_61 : memref<78x128xi32, #tpu.memory_space<hbm>>) dst(%arg9 : memref<78x128xi32, #tpu.memory_space<vmem>>)
      tpu.yield
    }) : () -> ()
    %mul3A_5 = arith.constant 78 : i32
    %mul3A_6 = arith.muli %add3A, %mul3A_5 : i32
    "tpu.region"() ({
      %run_scoped3A = tpu.sem_alloc : memref<!tpu.dma_semaphore, #tpu.memory_space<semaphore_mem>>
      %dma_start3A_55 = arith.constant 0 : i32
      %dma_start3A_56 = tpu.memref_slice %arg4[%mul3A_6, %dma_start3A_55] : memref<2500x128xi32, #tpu.memory_space<hbm>> -> memref<78x128xi32, #tpu.memory_space<hbm>>
      %dma_start3A_57 = arith.constant 0 : i32
      %dma_start3A_58 = tpu.memref_slice %arg4[%mul3A_6, %dma_start3A_57] : memref<2500x128xi32, #tpu.memory_space<hbm>> -> memref<78x128xi32, #tpu.memory_space<hbm>>
      tpu.enqueue_dma source(%dma_start3A_58 : memref<78x128xi32, #tpu.memory_space<hbm>>) target(%arg10 : memref<78x128xi32, #tpu.memory_space<vmem>>) target_semaphore(%run_scoped3A : memref<!tpu.dma_semaphore, #tpu.memory_space<semaphore_mem>>)
      %dma_wait3A = arith.constant 0 : i32
      %dma_wait3A_59 = tpu.memref_slice %arg4[%mul3A_6, %dma_wait3A] : memref<2500x128xi32, #tpu.memory_space<hbm>> -> memref<78x128xi32, #tpu.memory_space<hbm>>
      %dma_wait3A_60 = arith.constant 0 : i32
      %dma_wait3A_61 = tpu.memref_slice %arg4[%mul3A_6, %dma_wait3A_60] : memref<2500x128xi32, #tpu.memory_space<hbm>> -> memref<78x128xi32, #tpu.memory_space<hbm>>
      tpu.wait_dma2 semaphore(%run_scoped3A : memref<!tpu.dma_semaphore, #tpu.memory_space<semaphore_mem>>) src(%dma_wait3A_61 : memref<78x128xi32, #tpu.memory_space<hbm>>) dst(%arg10 : memref<78x128xi32, #tpu.memory_space<vmem>>)
      tpu.yield
    }) : () -> ()
    %mul3A_7 = arith.constant 16 : i32
    %mul3A_8 = arith.muli %add3A, %mul3A_7 : i32
    %jit3A = arith.constant 128 : i32
    %div3A = arith.divsi %mul3A_8, %jit3A : i32
    %sign3A = arith.constant 0 : i32
    %sign3A_9 = arith.cmpi sgt, %mul3A_8, %sign3A : i32
    %sign3A_10 = arith.extui %sign3A_9 : i1 to i32
    %sign3A_11 = arith.constant 0 : i32
    %sign3A_12 = arith.cmpi slt, %mul3A_8, %sign3A_11 : i32
    %sign3A_13 = arith.extui %sign3A_12 : i1 to i32
    %sign3A_14 = arith.subi %sign3A_10, %sign3A_13 : i32
    %sign3A_15 = arith.constant 0 : i32
    %sign3A_16 = arith.cmpi sgt, %jit3A, %sign3A_15 : i32
    %sign3A_17 = arith.extui %sign3A_16 : i1 to i32
    %sign3A_18 = arith.constant 0 : i32
    %sign3A_19 = arith.cmpi slt, %jit3A, %sign3A_18 : i32
    %sign3A_20 = arith.extui %sign3A_19 : i1 to i32
    %sign3A_21 = arith.subi %sign3A_17, %sign3A_20 : i32
    %ne3A = arith.cmpi ne, %sign3A_14, %sign3A_21 : i32
    %rem3A = arith.remsi %mul3A_8, %jit3A : i32
    %ne3A_22 = arith.constant 0 : i32
    %ne3A_23 = arith.cmpi ne, %rem3A, %ne3A_22 : i32
    %and3A = arith.andi %ne3A, %ne3A_23 : i1
    %sub3A = arith.constant 1 : i32
    %sub3A_24 = arith.subi %div3A, %sub3A : i32
    %select_n3A = arith.select %and3A, %sub3A_24, %div3A : i32
    %add3A_25 = arith.constant 2496 : i32
    %add3A_26 = arith.addi %add3A_25, %select_n3A : i32
    %mul3A_27 = arith.constant 16 : i32
    %mul3A_28 = arith.muli %add3A, %mul3A_27 : i32
    %jit3A_29 = arith.constant 128 : i32
    %eq3A = arith.constant 0 : i32
    %eq3A_30 = arith.cmpi eq, %jit3A_29, %eq3A : i32
    %jit3A_31 = arith.constant 1 : i32
    %select_n3A_32 = arith.select %eq3A_30, %jit3A_31, %jit3A_29 : i32
    %rem3A_33 = arith.remsi %mul3A_28, %select_n3A_32 : i32
    %ne3A_34 = arith.constant 0 : i32
    %ne3A_35 = arith.cmpi ne, %rem3A_33, %ne3A_34 : i32
    %lt3A = arith.constant 0 : i32
    %lt3A_36 = arith.cmpi slt, %rem3A_33, %lt3A : i32
    %lt3A_37 = arith.constant 0 : i32
    %lt3A_38 = arith.cmpi slt, %select_n3A_32, %lt3A_37 : i32
    %ne3A_39 = arith.xori %lt3A_36, %lt3A_38 : i1
    %and3A_40 = arith.andi %ne3A_39, %ne3A_35 : i1
    %add3A_41 = arith.addi %rem3A_33, %select_n3A_32 : i32
    %select_n3A_42 = arith.select %and3A_40, %add3A_41, %rem3A_33 : i32
    "tpu.region"() ({
      %run_scoped3A = tpu.sem_alloc : memref<!tpu.dma_semaphore, #tpu.memory_space<semaphore_mem>>
      %dma_start3A_55 = tpu.memref_slice %arg3[%add3A_26, %select_n3A_42] : memref<2500x128xi32, #tpu.memory_space<hbm>> -> memref<1x16xi32, #tpu.memory_space<hbm>>
      %dma_start3A_56 = tpu.memref_squeeze %dma_start3A_55 : memref<1x16xi32, #tpu.memory_space<hbm>> -> memref<16xi32, #tpu.memory_space<hbm>>
      %dma_start3A_57 = tpu.memref_slice %arg3[%add3A_26, %select_n3A_42] : memref<2500x128xi32, #tpu.memory_space<hbm>> -> memref<1x16xi32, #tpu.memory_space<hbm>>
      %dma_start3A_58 = tpu.memref_squeeze %dma_start3A_57 : memref<1x16xi32, #tpu.memory_space<hbm>> -> memref<16xi32, #tpu.memory_space<hbm>>
      tpu.enqueue_dma source(%dma_start3A_58 : memref<16xi32, #tpu.memory_space<hbm>>) target(%arg11 : memref<16xi32, #tpu.memory_space<vmem>>) target_semaphore(%run_scoped3A : memref<!tpu.dma_semaphore, #tpu.memory_space<semaphore_mem>>)
      %dma_wait3A = tpu.memref_slice %arg3[%add3A_26, %select_n3A_42] : memref<2500x128xi32, #tpu.memory_space<hbm>> -> memref<1x16xi32, #tpu.memory_space<hbm>>
      %dma_wait3A_59 = tpu.memref_squeeze %dma_wait3A : memref<1x16xi32, #tpu.memory_space<hbm>> -> memref<16xi32, #tpu.memory_space<hbm>>
      %dma_wait3A_60 = tpu.memref_slice %arg3[%add3A_26, %select_n3A_42] : memref<2500x128xi32, #tpu.memory_space<hbm>> -> memref<1x16xi32, #tpu.memory_space<hbm>>
      %dma_wait3A_61 = tpu.memref_squeeze %dma_wait3A_60 : memref<1x16xi32, #tpu.memory_space<hbm>> -> memref<16xi32, #tpu.memory_space<hbm>>
      tpu.wait_dma2 semaphore(%run_scoped3A : memref<!tpu.dma_semaphore, #tpu.memory_space<semaphore_mem>>) src(%dma_wait3A_61 : memref<16xi32, #tpu.memory_space<hbm>>) dst(%arg11 : memref<16xi32, #tpu.memory_space<vmem>>)
      tpu.yield
    }) : () -> ()
    "tpu.region"() ({
      %run_scoped3A = tpu.sem_alloc : memref<!tpu.dma_semaphore, #tpu.memory_space<semaphore_mem>>
      %dma_start3A_55 = tpu.memref_slice %arg4[%add3A_26, %select_n3A_42] : memref<2500x128xi32, #tpu.memory_space<hbm>> -> memref<1x16xi32, #tpu.memory_space<hbm>>
      %dma_start3A_56 = tpu.memref_squeeze %dma_start3A_55 : memref<1x16xi32, #tpu.memory_space<hbm>> -> memref<16xi32, #tpu.memory_space<hbm>>
      %dma_start3A_57 = tpu.memref_slice %arg4[%add3A_26, %select_n3A_42] : memref<2500x128xi32, #tpu.memory_space<hbm>> -> memref<1x16xi32, #tpu.memory_space<hbm>>
      %dma_start3A_58 = tpu.memref_squeeze %dma_start3A_57 : memref<1x16xi32, #tpu.memory_space<hbm>> -> memref<16xi32, #tpu.memory_space<hbm>>
      tpu.enqueue_dma source(%dma_start3A_58 : memref<16xi32, #tpu.memory_space<hbm>>) target(%arg12 : memref<16xi32, #tpu.memory_space<vmem>>) target_semaphore(%run_scoped3A : memref<!tpu.dma_semaphore, #tpu.memory_space<semaphore_mem>>)
      %dma_wait3A = tpu.memref_slice %arg4[%add3A_26, %select_n3A_42] : memref<2500x128xi32, #tpu.memory_space<hbm>> -> memref<1x16xi32, #tpu.memory_space<hbm>>
      %dma_wait3A_59 = tpu.memref_squeeze %dma_wait3A : memref<1x16xi32, #tpu.memory_space<hbm>> -> memref<16xi32, #tpu.memory_space<hbm>>
      %dma_wait3A_60 = tpu.memref_slice %arg4[%add3A_26, %select_n3A_42] : memref<2500x128xi32, #tpu.memory_space<hbm>> -> memref<1x16xi32, #tpu.memory_space<hbm>>
      %dma_wait3A_61 = tpu.memref_squeeze %dma_wait3A_60 : memref<1x16xi32, #tpu.memory_space<hbm>> -> memref<16xi32, #tpu.memory_space<hbm>>
      tpu.wait_dma2 semaphore(%run_scoped3A : memref<!tpu.dma_semaphore, #tpu.memory_space<semaphore_mem>>) src(%dma_wait3A_61 : memref<16xi32, #tpu.memory_space<hbm>>) dst(%arg12 : memref<16xi32, #tpu.memory_space<vmem>>)
      tpu.yield
    }) : () -> ()
    %barrier3A = arith.constant 0 : index
    tpu.barrier barrier_id(%barrier3A)
    %dma_start3A = arith.constant 0 : i32
    %dma_start3A_43 = arith.constant 0 : i32
    %dma_start3A_44 = tpu.memref_slice %arg9[%dma_start3A, %dma_start3A_43] : memref<78x128xi32, #tpu.memory_space<vmem>> -> memref<1x128xi32, #tpu.memory_space<vmem>>
    %dma_start3A_45 = tpu.memref_squeeze %dma_start3A_44 : memref<1x128xi32, #tpu.memory_space<vmem>> -> memref<128xi32, #tpu.memory_space<vmem>>
    %dma_start3A_46 = arith.constant 0 : i32
    %dma_start3A_47 = arith.constant 0 : i32
    %dma_start3A_48 = tpu.memref_slice %arg2[%dma_start3A_46, %dma_start3A_47] : memref<10240x96xbf16, #tpu.memory_space<hbm>> -> memref<10240x96xbf16, #tpu.memory_space<hbm>>
    tpu.enqueue_indirect_dma source(%dma_start3A_48 : memref<10240x96xbf16, #tpu.memory_space<hbm>>) target(%arg13 : memref<128x96xbf16, #tpu.memory_space<vmem>>) offsets(%dma_start3A_45 : memref<128xi32, #tpu.memory_space<vmem>>) semaphore(%arg16 : memref<!tpu.dma_semaphore, #tpu.memory_space<semaphore_mem>>)
    %scan3A = arith.constant 0 : i32
    %scan3A_49 = arith.constant 0 : i32
    %scan3A_50 = arith.constant 39 : i32
    %scan3A_51 = arith.addi %scan3A_49, %scan3A_50 : i32
    %scan3A_52 = arith.constant 1 : i32
    scf.for %scan3A_55 = %scan3A_49 to %scan3A_51 step %scan3A_52  : i32 {
      %mul3A_56 = arith.constant 2 : i32
      %mul3A_57 = arith.muli %mul3A_56, %scan3A_55 : i32
      %dma_wait3A = arith.constant 0 : i32
      %dma_wait3A_58 = tpu.memref_slice %arg9[%mul3A_57, %dma_wait3A] : memref<78x128xi32, #tpu.memory_space<vmem>> -> memref<1x128xi32, #tpu.memory_space<vmem>>
      %dma_wait3A_59 = tpu.memref_squeeze %dma_wait3A_58 : memref<1x128xi32, #tpu.memory_space<vmem>> -> memref<128xi32, #tpu.memory_space<vmem>>
      %dma_wait3A_60 = arith.constant 0 : i32
      %dma_wait3A_61 = arith.constant 0 : i32
      %dma_wait3A_62 = tpu.memref_slice %arg2[%dma_wait3A_60, %dma_wait3A_61] : memref<10240x96xbf16, #tpu.memory_space<hbm>> -> memref<10240x96xbf16, #tpu.memory_space<hbm>>
      tpu.wait_indirect_dma semaphore(%arg16 : memref<!tpu.dma_semaphore, #tpu.memory_space<semaphore_mem>>) src(%dma_wait3A_62 : memref<10240x96xbf16, #tpu.memory_space<hbm>>) dst(%arg13 : memref<128x96xbf16, #tpu.memory_space<vmem>>)
      %dma_start3A_63 = arith.constant 0 : i32
      %dma_start3A_64 = tpu.memref_slice %arg10[%mul3A_57, %dma_start3A_63] : memref<78x128xi32, #tpu.memory_space<vmem>> -> memref<1x128xi32, #tpu.memory_space<vmem>>
      %dma_start3A_65 = tpu.memref_squeeze %dma_start3A_64 : memref<1x128xi32, #tpu.memory_space<vmem>> -> memref<128xi32, #tpu.memory_space<vmem>>
      %dma_start3A_66 = arith.constant 0 : i32
      %dma_start3A_67 = arith.constant 0 : i32
      %dma_start3A_68 = tpu.memref_slice %arg7[%dma_start3A_66, %dma_start3A_67] : memref<10240x96xbf16, #tpu.memory_space<vmem_shared>> -> memref<10240x96xbf16, #tpu.memory_space<vmem_shared>>
      tpu.enqueue_indirect_dma source(%arg13 : memref<128x96xbf16, #tpu.memory_space<vmem>>) target(%dma_start3A_68 : memref<10240x96xbf16, #tpu.memory_space<vmem_shared>>) offsets(%dma_start3A_65 : memref<128xi32, #tpu.memory_space<vmem>>) semaphore(%arg18 : memref<!tpu.dma_semaphore, #tpu.memory_space<semaphore_mem>>) {add = true}
      %add3A_69 = arith.constant 1 : i32
      %add3A_70 = arith.addi %mul3A_57, %add3A_69 : i32
      %dma_start3A_71 = arith.constant 0 : i32
      %dma_start3A_72 = tpu.memref_slice %arg9[%add3A_70, %dma_start3A_71] : memref<78x128xi32, #tpu.memory_space<vmem>> -> memref<1x128xi32, #tpu.memory_space<vmem>>
      %dma_start3A_73 = tpu.memref_squeeze %dma_start3A_72 : memref<1x128xi32, #tpu.memory_space<vmem>> -> memref<128xi32, #tpu.memory_space<vmem>>
      %dma_start3A_74 = arith.constant 0 : i32
      %dma_start3A_75 = arith.constant 0 : i32
      %dma_start3A_76 = tpu.memref_slice %arg2[%dma_start3A_74, %dma_start3A_75] : memref<10240x96xbf16, #tpu.memory_space<hbm>> -> memref<10240x96xbf16, #tpu.memory_space<hbm>>
      tpu.enqueue_indirect_dma source(%dma_start3A_76 : memref<10240x96xbf16, #tpu.memory_space<hbm>>) target(%arg14 : memref<128x96xbf16, #tpu.memory_space<vmem>>) offsets(%dma_start3A_73 : memref<128xi32, #tpu.memory_space<vmem>>) semaphore(%arg17 : memref<!tpu.dma_semaphore, #tpu.memory_space<semaphore_mem>>)
      %dma_wait3A_77 = arith.constant 0 : i32
      %dma_wait3A_78 = tpu.memref_slice %arg10[%mul3A_57, %dma_wait3A_77] : memref<78x128xi32, #tpu.memory_space<vmem>> -> memref<1x128xi32, #tpu.memory_space<vmem>>
      %dma_wait3A_79 = tpu.memref_squeeze %dma_wait3A_78 : memref<1x128xi32, #tpu.memory_space<vmem>> -> memref<128xi32, #tpu.memory_space<vmem>>
      %dma_wait3A_80 = arith.constant 0 : i32
      %dma_wait3A_81 = arith.constant 0 : i32
      %dma_wait3A_82 = tpu.memref_slice %arg7[%dma_wait3A_80, %dma_wait3A_81] : memref<10240x96xbf16, #tpu.memory_space<vmem_shared>> -> memref<10240x96xbf16, #tpu.memory_space<vmem_shared>>
      tpu.wait_indirect_dma semaphore(%arg18 : memref<!tpu.dma_semaphore, #tpu.memory_space<semaphore_mem>>) src(%arg13 : memref<128x96xbf16, #tpu.memory_space<vmem>>) dst(%dma_wait3A_82 : memref<10240x96xbf16, #tpu.memory_space<vmem_shared>>)
      %add3A_83 = arith.constant 1 : i32
      %add3A_84 = arith.addi %mul3A_57, %add3A_83 : i32
      %dma_wait3A_85 = arith.constant 0 : i32
      %dma_wait3A_86 = tpu.memref_slice %arg9[%add3A_84, %dma_wait3A_85] : memref<78x128xi32, #tpu.memory_space<vmem>> -> memref<1x128xi32, #tpu.memory_space<vmem>>
      %dma_wait3A_87 = tpu.memref_squeeze %dma_wait3A_86 : memref<1x128xi32, #tpu.memory_space<vmem>> -> memref<128xi32, #tpu.memory_space<vmem>>
      %dma_wait3A_88 = arith.constant 0 : i32
      %dma_wait3A_89 = arith.constant 0 : i32
      %dma_wait3A_90 = tpu.memref_slice %arg2[%dma_wait3A_88, %dma_wait3A_89] : memref<10240x96xbf16, #tpu.memory_space<hbm>> -> memref<10240x96xbf16, #tpu.memory_space<hbm>>
      tpu.wait_indirect_dma semaphore(%arg17 : memref<!tpu.dma_semaphore, #tpu.memory_space<semaphore_mem>>) src(%dma_wait3A_90 : memref<10240x96xbf16, #tpu.memory_space<hbm>>) dst(%arg14 : memref<128x96xbf16, #tpu.memory_space<vmem>>)
      %add3A_91 = arith.constant 1 : i32
      %add3A_92 = arith.addi %mul3A_57, %add3A_91 : i32
      %dma_start3A_93 = arith.constant 0 : i32
      %dma_start3A_94 = tpu.memref_slice %arg10[%add3A_92, %dma_start3A_93] : memref<78x128xi32, #tpu.memory_space<vmem>> -> memref<1x128xi32, #tpu.memory_space<vmem>>
      %dma_start3A_95 = tpu.memref_squeeze %dma_start3A_94 : memref<1x128xi32, #tpu.memory_space<vmem>> -> memref<128xi32, #tpu.memory_space<vmem>>
      %dma_start3A_96 = arith.constant 0 : i32
      %dma_start3A_97 = arith.constant 0 : i32
      %dma_start3A_98 = tpu.memref_slice %arg7[%dma_start3A_96, %dma_start3A_97] : memref<10240x96xbf16, #tpu.memory_space<vmem_shared>> -> memref<10240x96xbf16, #tpu.memory_space<vmem_shared>>
      tpu.enqueue_indirect_dma source(%arg14 : memref<128x96xbf16, #tpu.memory_space<vmem>>) target(%dma_start3A_98 : memref<10240x96xbf16, #tpu.memory_space<vmem_shared>>) offsets(%dma_start3A_95 : memref<128xi32, #tpu.memory_space<vmem>>) semaphore(%arg19 : memref<!tpu.dma_semaphore, #tpu.memory_space<semaphore_mem>>) {add = true}
      %lt3A_99 = arith.constant 38 : i32
      %lt3A_100 = arith.cmpi slt, %scan3A_55, %lt3A_99 : i32
      %convert_element_type3A = arith.extui %lt3A_100 : i1 to i32
      %cond3A = arith.constant 0 : i32
      %cond3A_101 = arith.cmpi ne, %convert_element_type3A, %cond3A : i32
      scf.if %cond3A_101 {
        %add3A_108 = arith.constant 2 : i32
        %add3A_109 = arith.addi %mul3A_57, %add3A_108 : i32
        %dma_start3A_110 = arith.constant 0 : i32
        %dma_start3A_111 = tpu.memref_slice %arg9[%add3A_109, %dma_start3A_110] : memref<78x128xi32, #tpu.memory_space<vmem>> -> memref<1x128xi32, #tpu.memory_space<vmem>>
        %dma_start3A_112 = tpu.memref_squeeze %dma_start3A_111 : memref<1x128xi32, #tpu.memory_space<vmem>> -> memref<128xi32, #tpu.memory_space<vmem>>
        %dma_start3A_113 = arith.constant 0 : i32
        %dma_start3A_114 = arith.constant 0 : i32
        %dma_start3A_115 = tpu.memref_slice %arg2[%dma_start3A_113, %dma_start3A_114] : memref<10240x96xbf16, #tpu.memory_space<hbm>> -> memref<10240x96xbf16, #tpu.memory_space<hbm>>
        tpu.enqueue_indirect_dma source(%dma_start3A_115 : memref<10240x96xbf16, #tpu.memory_space<hbm>>) target(%arg13 : memref<128x96xbf16, #tpu.memory_space<vmem>>) offsets(%dma_start3A_112 : memref<128xi32, #tpu.memory_space<vmem>>) semaphore(%arg16 : memref<!tpu.dma_semaphore, #tpu.memory_space<semaphore_mem>>)
      } else {
      }
      %dma_wait3A_102 = arith.constant 0 : i32
      %dma_wait3A_103 = tpu.memref_slice %arg10[%add3A_92, %dma_wait3A_102] : memref<78x128xi32, #tpu.memory_space<vmem>> -> memref<1x128xi32, #tpu.memory_space<vmem>>
      %dma_wait3A_104 = tpu.memref_squeeze %dma_wait3A_103 : memref<1x128xi32, #tpu.memory_space<vmem>> -> memref<128xi32, #tpu.memory_space<vmem>>
      %dma_wait3A_105 = arith.constant 0 : i32
      %dma_wait3A_106 = arith.constant 0 : i32
      %dma_wait3A_107 = tpu.memref_slice %arg7[%dma_wait3A_105, %dma_wait3A_106] : memref<10240x96xbf16, #tpu.memory_space<vmem_shared>> -> memref<10240x96xbf16, #tpu.memory_space<vmem_shared>>
      tpu.wait_indirect_dma semaphore(%arg19 : memref<!tpu.dma_semaphore, #tpu.memory_space<semaphore_mem>>) src(%arg14 : memref<128x96xbf16, #tpu.memory_space<vmem>>) dst(%dma_wait3A_107 : memref<10240x96xbf16, #tpu.memory_space<vmem_shared>>)
    }
    %scan3A_53 = arith.constant 39 : i32
    "tpu.region"() ({
      %run_scoped3A = tpu.sem_alloc : memref<!tpu.dma_semaphore, #tpu.memory_space<semaphore_mem>>
      %dma_start3A_55 = arith.constant 0 : i32
      %dma_start3A_56 = arith.constant 0 : i32
      %dma_start3A_57 = tpu.memref_slice %arg2[%dma_start3A_55, %dma_start3A_56] : memref<10240x96xbf16, #tpu.memory_space<hbm>> -> memref<10240x96xbf16, #tpu.memory_space<hbm>>
      tpu.enqueue_indirect_dma source(%dma_start3A_57 : memref<10240x96xbf16, #tpu.memory_space<hbm>>) target(%arg15 : memref<16x96xbf16, #tpu.memory_space<vmem>>) offsets(%arg11 : memref<16xi32, #tpu.memory_space<vmem>>) semaphore(%run_scoped3A : memref<!tpu.dma_semaphore, #tpu.memory_space<semaphore_mem>>)
      %dma_wait3A = arith.constant 0 : i32
      %dma_wait3A_58 = arith.constant 0 : i32
      %dma_wait3A_59 = tpu.memref_slice %arg2[%dma_wait3A, %dma_wait3A_58] : memref<10240x96xbf16, #tpu.memory_space<hbm>> -> memref<10240x96xbf16, #tpu.memory_space<hbm>>
      tpu.wait_indirect_dma semaphore(%run_scoped3A : memref<!tpu.dma_semaphore, #tpu.memory_space<semaphore_mem>>) src(%dma_wait3A_59 : memref<10240x96xbf16, #tpu.memory_space<hbm>>) dst(%arg15 : memref<16x96xbf16, #tpu.memory_space<vmem>>)
      tpu.yield
    }) : () -> ()
    "tpu.region"() ({
      %run_scoped3A = tpu.sem_alloc : memref<!tpu.dma_semaphore, #tpu.memory_space<semaphore_mem>>
      %dma_start3A_55 = arith.constant 0 : i32
      %dma_start3A_56 = arith.constant 0 : i32
      %dma_start3A_57 = tpu.memref_slice %arg7[%dma_start3A_55, %dma_start3A_56] : memref<10240x96xbf16, #tpu.memory_space<vmem_shared>> -> memref<10240x96xbf16, #tpu.memory_space<vmem_shared>>
      tpu.enqueue_indirect_dma source(%arg15 : memref<16x96xbf16, #tpu.memory_space<vmem>>) target(%dma_start3A_57 : memref<10240x96xbf16, #tpu.memory_space<vmem_shared>>) offsets(%arg12 : memref<16xi32, #tpu.memory_space<vmem>>) semaphore(%run_scoped3A : memref<!tpu.dma_semaphore, #tpu.memory_space<semaphore_mem>>) {add = true}
      %dma_wait3A = arith.constant 0 : i32
      %dma_wait3A_58 = arith.constant 0 : i32
      %dma_wait3A_59 = tpu.memref_slice %arg7[%dma_wait3A, %dma_wait3A_58] : memref<10240x96xbf16, #tpu.memory_space<vmem_shared>> -> memref<10240x96xbf16, #tpu.memory_space<vmem_shared>>
      tpu.wait_indirect_dma semaphore(%run_scoped3A : memref<!tpu.dma_semaphore, #tpu.memory_space<semaphore_mem>>) src(%arg15 : memref<16x96xbf16, #tpu.memory_space<vmem>>) dst(%dma_wait3A_59 : memref<10240x96xbf16, #tpu.memory_space<vmem_shared>>)
      tpu.yield
    }) : () -> ()
    %barrier3A_54 = arith.constant 0 : index
    tpu.barrier barrier_id(%barrier3A_54)
    "tpu.region"() ({
      %run_scoped3A = tpu.sem_alloc : memref<!tpu.dma_semaphore, #tpu.memory_space<semaphore_mem>>
      %dma_start3A_55 = arith.constant 0 : i32
      %dma_start3A_56 = tpu.memref_slice %arg7[%mul3A_0, %dma_start3A_55] : memref<10240x96xbf16, #tpu.memory_space<vmem_shared>> -> memref<640x96xbf16, #tpu.memory_space<vmem_shared>>
      %dma_start3A_57 = arith.constant 0 : i32
      %dma_start3A_58 = tpu.memref_slice %arg7[%mul3A_0, %dma_start3A_57] : memref<10240x96xbf16, #tpu.memory_space<vmem_shared>> -> memref<640x96xbf16, #tpu.memory_space<vmem_shared>>
      tpu.enqueue_dma source(%dma_start3A_58 : memref<640x96xbf16, #tpu.memory_space<vmem_shared>>) target(%arg8 : memref<640x96xbf16, #tpu.memory_space<vmem>>) target_semaphore(%run_scoped3A : memref<!tpu.dma_semaphore, #tpu.memory_space<semaphore_mem>>)
      %dma_wait3A = arith.constant 0 : i32
      %dma_wait3A_59 = tpu.memref_slice %arg7[%mul3A_0, %dma_wait3A] : memref<10240x96xbf16, #tpu.memory_space<vmem_shared>> -> memref<640x96xbf16, #tpu.memory_space<vmem_shared>>
      %dma_wait3A_60 = arith.constant 0 : i32
      %dma_wait3A_61 = tpu.memref_slice %arg7[%mul3A_0, %dma_wait3A_60] : memref<10240x96xbf16, #tpu.memory_space<vmem_shared>> -> memref<640x96xbf16, #tpu.memory_space<vmem_shared>>
      tpu.wait_dma2 semaphore(%run_scoped3A : memref<!tpu.dma_semaphore, #tpu.memory_space<semaphore_mem>>) src(%dma_wait3A_61 : memref<640x96xbf16, #tpu.memory_space<vmem_shared>>) dst(%arg8 : memref<640x96xbf16, #tpu.memory_space<vmem>>)
      tpu.yield
    }) : () -> ()
    "tpu.region"() ({
      %run_scoped3A = tpu.sem_alloc : memref<!tpu.dma_semaphore, #tpu.memory_space<semaphore_mem>>
      %dma_start3A_55 = arith.constant 0 : i32
      %dma_start3A_56 = tpu.memref_slice %arg6[%arg0, %mul3A_0, %dma_start3A_55] : memref<2x10240x96xbf16, #tpu.memory_space<hbm>> -> memref<1x640x96xbf16, #tpu.memory_space<hbm>>
      %dma_start3A_57 = tpu.memref_squeeze %dma_start3A_56 : memref<1x640x96xbf16, #tpu.memory_space<hbm>> -> memref<640x96xbf16, #tpu.memory_space<hbm>>
      %dma_start3A_58 = arith.constant 0 : i32
      %dma_start3A_59 = tpu.memref_slice %arg6[%arg0, %mul3A_0, %dma_start3A_58] : memref<2x10240x96xbf16, #tpu.memory_space<hbm>> -> memref<1x640x96xbf16, #tpu.memory_space<hbm>>
      %dma_start3A_60 = tpu.memref_squeeze %dma_start3A_59 : memref<1x640x96xbf16, #tpu.memory_space<hbm>> -> memref<640x96xbf16, #tpu.memory_space<hbm>>
      tpu.enqueue_dma source(%arg8 : memref<640x96xbf16, #tpu.memory_space<vmem>>) target(%dma_start3A_60 : memref<640x96xbf16, #tpu.memory_space<hbm>>) target_semaphore(%run_scoped3A : memref<!tpu.dma_semaphore, #tpu.memory_space<semaphore_mem>>)
      %dma_wait3A = arith.constant 0 : i32
      %dma_wait3A_61 = tpu.memref_slice %arg6[%arg0, %mul3A_0, %dma_wait3A] : memref<2x10240x96xbf16, #tpu.memory_space<hbm>> -> memref<1x640x96xbf16, #tpu.memory_space<hbm>>
      %dma_wait3A_62 = tpu.memref_squeeze %dma_wait3A_61 : memref<1x640x96xbf16, #tpu.memory_space<hbm>> -> memref<640x96xbf16, #tpu.memory_space<hbm>>
      %dma_wait3A_63 = arith.constant 0 : i32
      %dma_wait3A_64 = tpu.memref_slice %arg6[%arg0, %mul3A_0, %dma_wait3A_63] : memref<2x10240x96xbf16, #tpu.memory_space<hbm>> -> memref<1x640x96xbf16, #tpu.memory_space<hbm>>
      %dma_wait3A_65 = tpu.memref_squeeze %dma_wait3A_64 : memref<1x640x96xbf16, #tpu.memory_space<hbm>> -> memref<640x96xbf16, #tpu.memory_space<hbm>>
      tpu.wait_dma2 semaphore(%run_scoped3A : memref<!tpu.dma_semaphore, #tpu.memory_space<semaphore_mem>>) src(%arg8 : memref<640x96xbf16, #tpu.memory_space<vmem>>) dst(%dma_wait3A_65 : memref<640x96xbf16, #tpu.memory_space<hbm>>)
      tpu.yield
    }) : () -> ()
    return
  }
}

#map = affine_map<(d0, d1) -> (0, 0)>
#map1 = affine_map<(d0, d1) -> (0, 0, 0)>
module attributes {stable_mosaic.version = 14 : i64} {
  func.func @agg(%arg0: i32, %arg1: i32, %arg2: memref<10240x64xbf16, #tpu.memory_space<hbm>>, %arg3: memref<2500x128xi32, #tpu.memory_space<hbm>>, %arg4: memref<2500x128xi32, #tpu.memory_space<hbm>>, %arg5: memref<640x64xbf16, #tpu.memory_space<hbm>>, %arg6: memref<2x10240x64xbf16, #tpu.memory_space<hbm>>, %arg7: memref<10240x64xbf16, #tpu.memory_space<vmem_shared>>, %arg8: memref<640x64xbf16, #tpu.memory_space<vmem>>, %arg9: memref<78x128xi32, #tpu.memory_space<vmem>>, %arg10: memref<78x128xi32, #tpu.memory_space<vmem>>, %arg11: memref<16xi32, #tpu.memory_space<vmem>>, %arg12: memref<16xi32, #tpu.memory_space<vmem>>, %arg13: memref<128x64xbf16, #tpu.memory_space<vmem>>, %arg14: memref<128x64xbf16, #tpu.memory_space<vmem>>, %arg15: memref<16x64xbf16, #tpu.memory_space<vmem>>, %arg16: memref<!tpu.dma_semaphore, #tpu.memory_space<semaphore_mem>>, %arg17: memref<!tpu.dma_semaphore, #tpu.memory_space<semaphore_mem>>, %arg18: memref<!tpu.dma_semaphore, #tpu.memory_space<semaphore_mem>>, %arg19: memref<!tpu.dma_semaphore, #tpu.memory_space<semaphore_mem>>) attributes {dimension_semantics = [#tpu.dimension_semantics<core_parallel>, #tpu.dimension_semantics<subcore_parallel>], iteration_bounds = array<i64: 2, 16>, scalar_prefetch = 0 : i64, scratch_operands = 13 : i64, tpu.core_type = #tpu.core_type<sc_vector_subcore>, window_params = [{transform_indices = #map}, {transform_indices = #map}, {transform_indices = #map}, {transform_indices = #map}, {transform_indices = #map1}]} {
    %mul3A = arith.constant 640 : i32
    %mul3A_0 = arith.muli %arg1, %mul3A : i32
    %mul3A_1 = arith.constant 16 : i32
    %mul3A_2 = arith.muli %arg0, %mul3A_1 : i32
    %add3A = arith.addi %mul3A_2, %arg1 : i32
    "tpu.region"() ({
      %run_scoped3A = tpu.sem_alloc : memref<!tpu.dma_semaphore, #tpu.memory_space<semaphore_mem>>
      tpu.enqueue_dma source(%arg5 : memref<640x64xbf16, #tpu.memory_space<hbm>>) target(%arg8 : memref<640x64xbf16, #tpu.memory_space<vmem>>) target_semaphore(%run_scoped3A : memref<!tpu.dma_semaphore, #tpu.memory_space<semaphore_mem>>)
      tpu.wait_dma2 semaphore(%run_scoped3A : memref<!tpu.dma_semaphore, #tpu.memory_space<semaphore_mem>>) src(%arg5 : memref<640x64xbf16, #tpu.memory_space<hbm>>) dst(%arg8 : memref<640x64xbf16, #tpu.memory_space<vmem>>)
      tpu.yield
    }) : () -> ()
    "tpu.region"() ({
      %run_scoped3A = tpu.sem_alloc : memref<!tpu.dma_semaphore, #tpu.memory_space<semaphore_mem>>
      %dma_start3A_55 = arith.constant 0 : i32
      %dma_start3A_56 = tpu.memref_slice %arg7[%mul3A_0, %dma_start3A_55] : memref<10240x64xbf16, #tpu.memory_space<vmem_shared>> -> memref<640x64xbf16, #tpu.memory_space<vmem_shared>>
      %dma_start3A_57 = arith.constant 0 : i32
      %dma_start3A_58 = tpu.memref_slice %arg7[%mul3A_0, %dma_start3A_57] : memref<10240x64xbf16, #tpu.memory_space<vmem_shared>> -> memref<640x64xbf16, #tpu.memory_space<vmem_shared>>
      tpu.enqueue_dma source(%arg8 : memref<640x64xbf16, #tpu.memory_space<vmem>>) target(%dma_start3A_58 : memref<640x64xbf16, #tpu.memory_space<vmem_shared>>) target_semaphore(%run_scoped3A : memref<!tpu.dma_semaphore, #tpu.memory_space<semaphore_mem>>)
      %dma_wait3A = arith.constant 0 : i32
      %dma_wait3A_59 = tpu.memref_slice %arg7[%mul3A_0, %dma_wait3A] : memref<10240x64xbf16, #tpu.memory_space<vmem_shared>> -> memref<640x64xbf16, #tpu.memory_space<vmem_shared>>
      %dma_wait3A_60 = arith.constant 0 : i32
      %dma_wait3A_61 = tpu.memref_slice %arg7[%mul3A_0, %dma_wait3A_60] : memref<10240x64xbf16, #tpu.memory_space<vmem_shared>> -> memref<640x64xbf16, #tpu.memory_space<vmem_shared>>
      tpu.wait_dma2 semaphore(%run_scoped3A : memref<!tpu.dma_semaphore, #tpu.memory_space<semaphore_mem>>) src(%arg8 : memref<640x64xbf16, #tpu.memory_space<vmem>>) dst(%dma_wait3A_61 : memref<640x64xbf16, #tpu.memory_space<vmem_shared>>)
      tpu.yield
    }) : () -> ()
    %mul3A_3 = arith.constant 78 : i32
    %mul3A_4 = arith.muli %add3A, %mul3A_3 : i32
    "tpu.region"() ({
      %run_scoped3A = tpu.sem_alloc : memref<!tpu.dma_semaphore, #tpu.memory_space<semaphore_mem>>
      %dma_start3A_55 = arith.constant 0 : i32
      %dma_start3A_56 = tpu.memref_slice %arg3[%mul3A_4, %dma_start3A_55] : memref<2500x128xi32, #tpu.memory_space<hbm>> -> memref<78x128xi32, #tpu.memory_space<hbm>>
      %dma_start3A_57 = arith.constant 0 : i32
      %dma_start3A_58 = tpu.memref_slice %arg3[%mul3A_4, %dma_start3A_57] : memref<2500x128xi32, #tpu.memory_space<hbm>> -> memref<78x128xi32, #tpu.memory_space<hbm>>
      tpu.enqueue_dma source(%dma_start3A_58 : memref<78x128xi32, #tpu.memory_space<hbm>>) target(%arg9 : memref<78x128xi32, #tpu.memory_space<vmem>>) target_semaphore(%run_scoped3A : memref<!tpu.dma_semaphore, #tpu.memory_space<semaphore_mem>>)
      %dma_wait3A = arith.constant 0 : i32
      %dma_wait3A_59 = tpu.memref_slice %arg3[%mul3A_4, %dma_wait3A] : memref<2500x128xi32, #tpu.memory_space<hbm>> -> memref<78x128xi32, #tpu.memory_space<hbm>>
      %dma_wait3A_60 = arith.constant 0 : i32
      %dma_wait3A_61 = tpu.memref_slice %arg3[%mul3A_4, %dma_wait3A_60] : memref<2500x128xi32, #tpu.memory_space<hbm>> -> memref<78x128xi32, #tpu.memory_space<hbm>>
      tpu.wait_dma2 semaphore(%run_scoped3A : memref<!tpu.dma_semaphore, #tpu.memory_space<semaphore_mem>>) src(%dma_wait3A_61 : memref<78x128xi32, #tpu.memory_space<hbm>>) dst(%arg9 : memref<78x128xi32, #tpu.memory_space<vmem>>)
      tpu.yield
    }) : () -> ()
    %mul3A_5 = arith.constant 78 : i32
    %mul3A_6 = arith.muli %add3A, %mul3A_5 : i32
    "tpu.region"() ({
      %run_scoped3A = tpu.sem_alloc : memref<!tpu.dma_semaphore, #tpu.memory_space<semaphore_mem>>
      %dma_start3A_55 = arith.constant 0 : i32
      %dma_start3A_56 = tpu.memref_slice %arg4[%mul3A_6, %dma_start3A_55] : memref<2500x128xi32, #tpu.memory_space<hbm>> -> memref<78x128xi32, #tpu.memory_space<hbm>>
      %dma_start3A_57 = arith.constant 0 : i32
      %dma_start3A_58 = tpu.memref_slice %arg4[%mul3A_6, %dma_start3A_57] : memref<2500x128xi32, #tpu.memory_space<hbm>> -> memref<78x128xi32, #tpu.memory_space<hbm>>
      tpu.enqueue_dma source(%dma_start3A_58 : memref<78x128xi32, #tpu.memory_space<hbm>>) target(%arg10 : memref<78x128xi32, #tpu.memory_space<vmem>>) target_semaphore(%run_scoped3A : memref<!tpu.dma_semaphore, #tpu.memory_space<semaphore_mem>>)
      %dma_wait3A = arith.constant 0 : i32
      %dma_wait3A_59 = tpu.memref_slice %arg4[%mul3A_6, %dma_wait3A] : memref<2500x128xi32, #tpu.memory_space<hbm>> -> memref<78x128xi32, #tpu.memory_space<hbm>>
      %dma_wait3A_60 = arith.constant 0 : i32
      %dma_wait3A_61 = tpu.memref_slice %arg4[%mul3A_6, %dma_wait3A_60] : memref<2500x128xi32, #tpu.memory_space<hbm>> -> memref<78x128xi32, #tpu.memory_space<hbm>>
      tpu.wait_dma2 semaphore(%run_scoped3A : memref<!tpu.dma_semaphore, #tpu.memory_space<semaphore_mem>>) src(%dma_wait3A_61 : memref<78x128xi32, #tpu.memory_space<hbm>>) dst(%arg10 : memref<78x128xi32, #tpu.memory_space<vmem>>)
      tpu.yield
    }) : () -> ()
    %mul3A_7 = arith.constant 16 : i32
    %mul3A_8 = arith.muli %add3A, %mul3A_7 : i32
    %jit3A = arith.constant 128 : i32
    %div3A = arith.divsi %mul3A_8, %jit3A : i32
    %sign3A = arith.constant 0 : i32
    %sign3A_9 = arith.cmpi sgt, %mul3A_8, %sign3A : i32
    %sign3A_10 = arith.extui %sign3A_9 : i1 to i32
    %sign3A_11 = arith.constant 0 : i32
    %sign3A_12 = arith.cmpi slt, %mul3A_8, %sign3A_11 : i32
    %sign3A_13 = arith.extui %sign3A_12 : i1 to i32
    %sign3A_14 = arith.subi %sign3A_10, %sign3A_13 : i32
    %sign3A_15 = arith.constant 0 : i32
    %sign3A_16 = arith.cmpi sgt, %jit3A, %sign3A_15 : i32
    %sign3A_17 = arith.extui %sign3A_16 : i1 to i32
    %sign3A_18 = arith.constant 0 : i32
    %sign3A_19 = arith.cmpi slt, %jit3A, %sign3A_18 : i32
    %sign3A_20 = arith.extui %sign3A_19 : i1 to i32
    %sign3A_21 = arith.subi %sign3A_17, %sign3A_20 : i32
    %ne3A = arith.cmpi ne, %sign3A_14, %sign3A_21 : i32
    %rem3A = arith.remsi %mul3A_8, %jit3A : i32
    %ne3A_22 = arith.constant 0 : i32
    %ne3A_23 = arith.cmpi ne, %rem3A, %ne3A_22 : i32
    %and3A = arith.andi %ne3A, %ne3A_23 : i1
    %sub3A = arith.constant 1 : i32
    %sub3A_24 = arith.subi %div3A, %sub3A : i32
    %select_n3A = arith.select %and3A, %sub3A_24, %div3A : i32
    %add3A_25 = arith.constant 2496 : i32
    %add3A_26 = arith.addi %add3A_25, %select_n3A : i32
    %mul3A_27 = arith.constant 16 : i32
    %mul3A_28 = arith.muli %add3A, %mul3A_27 : i32
    %jit3A_29 = arith.constant 128 : i32
    %eq3A = arith.constant 0 : i32
    %eq3A_30 = arith.cmpi eq, %jit3A_29, %eq3A : i32
    %jit3A_31 = arith.constant 1 : i32
    %select_n3A_32 = arith.select %eq3A_30, %jit3A_31, %jit3A_29 : i32
    %rem3A_33 = arith.remsi %mul3A_28, %select_n3A_32 : i32
    %ne3A_34 = arith.constant 0 : i32
    %ne3A_35 = arith.cmpi ne, %rem3A_33, %ne3A_34 : i32
    %lt3A = arith.constant 0 : i32
    %lt3A_36 = arith.cmpi slt, %rem3A_33, %lt3A : i32
    %lt3A_37 = arith.constant 0 : i32
    %lt3A_38 = arith.cmpi slt, %select_n3A_32, %lt3A_37 : i32
    %ne3A_39 = arith.xori %lt3A_36, %lt3A_38 : i1
    %and3A_40 = arith.andi %ne3A_39, %ne3A_35 : i1
    %add3A_41 = arith.addi %rem3A_33, %select_n3A_32 : i32
    %select_n3A_42 = arith.select %and3A_40, %add3A_41, %rem3A_33 : i32
    "tpu.region"() ({
      %run_scoped3A = tpu.sem_alloc : memref<!tpu.dma_semaphore, #tpu.memory_space<semaphore_mem>>
      %dma_start3A_55 = tpu.memref_slice %arg3[%add3A_26, %select_n3A_42] : memref<2500x128xi32, #tpu.memory_space<hbm>> -> memref<1x16xi32, #tpu.memory_space<hbm>>
      %dma_start3A_56 = tpu.memref_squeeze %dma_start3A_55 : memref<1x16xi32, #tpu.memory_space<hbm>> -> memref<16xi32, #tpu.memory_space<hbm>>
      %dma_start3A_57 = tpu.memref_slice %arg3[%add3A_26, %select_n3A_42] : memref<2500x128xi32, #tpu.memory_space<hbm>> -> memref<1x16xi32, #tpu.memory_space<hbm>>
      %dma_start3A_58 = tpu.memref_squeeze %dma_start3A_57 : memref<1x16xi32, #tpu.memory_space<hbm>> -> memref<16xi32, #tpu.memory_space<hbm>>
      tpu.enqueue_dma source(%dma_start3A_58 : memref<16xi32, #tpu.memory_space<hbm>>) target(%arg11 : memref<16xi32, #tpu.memory_space<vmem>>) target_semaphore(%run_scoped3A : memref<!tpu.dma_semaphore, #tpu.memory_space<semaphore_mem>>)
      %dma_wait3A = tpu.memref_slice %arg3[%add3A_26, %select_n3A_42] : memref<2500x128xi32, #tpu.memory_space<hbm>> -> memref<1x16xi32, #tpu.memory_space<hbm>>
      %dma_wait3A_59 = tpu.memref_squeeze %dma_wait3A : memref<1x16xi32, #tpu.memory_space<hbm>> -> memref<16xi32, #tpu.memory_space<hbm>>
      %dma_wait3A_60 = tpu.memref_slice %arg3[%add3A_26, %select_n3A_42] : memref<2500x128xi32, #tpu.memory_space<hbm>> -> memref<1x16xi32, #tpu.memory_space<hbm>>
      %dma_wait3A_61 = tpu.memref_squeeze %dma_wait3A_60 : memref<1x16xi32, #tpu.memory_space<hbm>> -> memref<16xi32, #tpu.memory_space<hbm>>
      tpu.wait_dma2 semaphore(%run_scoped3A : memref<!tpu.dma_semaphore, #tpu.memory_space<semaphore_mem>>) src(%dma_wait3A_61 : memref<16xi32, #tpu.memory_space<hbm>>) dst(%arg11 : memref<16xi32, #tpu.memory_space<vmem>>)
      tpu.yield
    }) : () -> ()
    "tpu.region"() ({
      %run_scoped3A = tpu.sem_alloc : memref<!tpu.dma_semaphore, #tpu.memory_space<semaphore_mem>>
      %dma_start3A_55 = tpu.memref_slice %arg4[%add3A_26, %select_n3A_42] : memref<2500x128xi32, #tpu.memory_space<hbm>> -> memref<1x16xi32, #tpu.memory_space<hbm>>
      %dma_start3A_56 = tpu.memref_squeeze %dma_start3A_55 : memref<1x16xi32, #tpu.memory_space<hbm>> -> memref<16xi32, #tpu.memory_space<hbm>>
      %dma_start3A_57 = tpu.memref_slice %arg4[%add3A_26, %select_n3A_42] : memref<2500x128xi32, #tpu.memory_space<hbm>> -> memref<1x16xi32, #tpu.memory_space<hbm>>
      %dma_start3A_58 = tpu.memref_squeeze %dma_start3A_57 : memref<1x16xi32, #tpu.memory_space<hbm>> -> memref<16xi32, #tpu.memory_space<hbm>>
      tpu.enqueue_dma source(%dma_start3A_58 : memref<16xi32, #tpu.memory_space<hbm>>) target(%arg12 : memref<16xi32, #tpu.memory_space<vmem>>) target_semaphore(%run_scoped3A : memref<!tpu.dma_semaphore, #tpu.memory_space<semaphore_mem>>)
      %dma_wait3A = tpu.memref_slice %arg4[%add3A_26, %select_n3A_42] : memref<2500x128xi32, #tpu.memory_space<hbm>> -> memref<1x16xi32, #tpu.memory_space<hbm>>
      %dma_wait3A_59 = tpu.memref_squeeze %dma_wait3A : memref<1x16xi32, #tpu.memory_space<hbm>> -> memref<16xi32, #tpu.memory_space<hbm>>
      %dma_wait3A_60 = tpu.memref_slice %arg4[%add3A_26, %select_n3A_42] : memref<2500x128xi32, #tpu.memory_space<hbm>> -> memref<1x16xi32, #tpu.memory_space<hbm>>
      %dma_wait3A_61 = tpu.memref_squeeze %dma_wait3A_60 : memref<1x16xi32, #tpu.memory_space<hbm>> -> memref<16xi32, #tpu.memory_space<hbm>>
      tpu.wait_dma2 semaphore(%run_scoped3A : memref<!tpu.dma_semaphore, #tpu.memory_space<semaphore_mem>>) src(%dma_wait3A_61 : memref<16xi32, #tpu.memory_space<hbm>>) dst(%arg12 : memref<16xi32, #tpu.memory_space<vmem>>)
      tpu.yield
    }) : () -> ()
    %barrier3A = arith.constant 0 : index
    tpu.barrier barrier_id(%barrier3A)
    %dma_start3A = arith.constant 0 : i32
    %dma_start3A_43 = arith.constant 0 : i32
    %dma_start3A_44 = tpu.memref_slice %arg9[%dma_start3A, %dma_start3A_43] : memref<78x128xi32, #tpu.memory_space<vmem>> -> memref<1x128xi32, #tpu.memory_space<vmem>>
    %dma_start3A_45 = tpu.memref_squeeze %dma_start3A_44 : memref<1x128xi32, #tpu.memory_space<vmem>> -> memref<128xi32, #tpu.memory_space<vmem>>
    %dma_start3A_46 = arith.constant 0 : i32
    %dma_start3A_47 = arith.constant 0 : i32
    %dma_start3A_48 = tpu.memref_slice %arg2[%dma_start3A_46, %dma_start3A_47] : memref<10240x64xbf16, #tpu.memory_space<hbm>> -> memref<10240x64xbf16, #tpu.memory_space<hbm>>
    tpu.enqueue_indirect_dma source(%dma_start3A_48 : memref<10240x64xbf16, #tpu.memory_space<hbm>>) target(%arg13 : memref<128x64xbf16, #tpu.memory_space<vmem>>) offsets(%dma_start3A_45 : memref<128xi32, #tpu.memory_space<vmem>>) semaphore(%arg16 : memref<!tpu.dma_semaphore, #tpu.memory_space<semaphore_mem>>)
    %scan3A = arith.constant 0 : i32
    %scan3A_49 = arith.constant 0 : i32
    %scan3A_50 = arith.constant 39 : i32
    %scan3A_51 = arith.addi %scan3A_49, %scan3A_50 : i32
    %scan3A_52 = arith.constant 1 : i32
    scf.for %scan3A_55 = %scan3A_49 to %scan3A_51 step %scan3A_52  : i32 {
      %mul3A_56 = arith.constant 2 : i32
      %mul3A_57 = arith.muli %mul3A_56, %scan3A_55 : i32
      %dma_wait3A = arith.constant 0 : i32
      %dma_wait3A_58 = tpu.memref_slice %arg9[%mul3A_57, %dma_wait3A] : memref<78x128xi32, #tpu.memory_space<vmem>> -> memref<1x128xi32, #tpu.memory_space<vmem>>
      %dma_wait3A_59 = tpu.memref_squeeze %dma_wait3A_58 : memref<1x128xi32, #tpu.memory_space<vmem>> -> memref<128xi32, #tpu.memory_space<vmem>>
      %dma_wait3A_60 = arith.constant 0 : i32
      %dma_wait3A_61 = arith.constant 0 : i32
      %dma_wait3A_62 = tpu.memref_slice %arg2[%dma_wait3A_60, %dma_wait3A_61] : memref<10240x64xbf16, #tpu.memory_space<hbm>> -> memref<10240x64xbf16, #tpu.memory_space<hbm>>
      tpu.wait_indirect_dma semaphore(%arg16 : memref<!tpu.dma_semaphore, #tpu.memory_space<semaphore_mem>>) src(%dma_wait3A_62 : memref<10240x64xbf16, #tpu.memory_space<hbm>>) dst(%arg13 : memref<128x64xbf16, #tpu.memory_space<vmem>>)
      %dma_start3A_63 = arith.constant 0 : i32
      %dma_start3A_64 = tpu.memref_slice %arg10[%mul3A_57, %dma_start3A_63] : memref<78x128xi32, #tpu.memory_space<vmem>> -> memref<1x128xi32, #tpu.memory_space<vmem>>
      %dma_start3A_65 = tpu.memref_squeeze %dma_start3A_64 : memref<1x128xi32, #tpu.memory_space<vmem>> -> memref<128xi32, #tpu.memory_space<vmem>>
      %dma_start3A_66 = arith.constant 0 : i32
      %dma_start3A_67 = arith.constant 0 : i32
      %dma_start3A_68 = tpu.memref_slice %arg7[%dma_start3A_66, %dma_start3A_67] : memref<10240x64xbf16, #tpu.memory_space<vmem_shared>> -> memref<10240x64xbf16, #tpu.memory_space<vmem_shared>>
      tpu.enqueue_indirect_dma source(%arg13 : memref<128x64xbf16, #tpu.memory_space<vmem>>) target(%dma_start3A_68 : memref<10240x64xbf16, #tpu.memory_space<vmem_shared>>) offsets(%dma_start3A_65 : memref<128xi32, #tpu.memory_space<vmem>>) semaphore(%arg18 : memref<!tpu.dma_semaphore, #tpu.memory_space<semaphore_mem>>) {add = true}
      %add3A_69 = arith.constant 1 : i32
      %add3A_70 = arith.addi %mul3A_57, %add3A_69 : i32
      %dma_start3A_71 = arith.constant 0 : i32
      %dma_start3A_72 = tpu.memref_slice %arg9[%add3A_70, %dma_start3A_71] : memref<78x128xi32, #tpu.memory_space<vmem>> -> memref<1x128xi32, #tpu.memory_space<vmem>>
      %dma_start3A_73 = tpu.memref_squeeze %dma_start3A_72 : memref<1x128xi32, #tpu.memory_space<vmem>> -> memref<128xi32, #tpu.memory_space<vmem>>
      %dma_start3A_74 = arith.constant 0 : i32
      %dma_start3A_75 = arith.constant 0 : i32
      %dma_start3A_76 = tpu.memref_slice %arg2[%dma_start3A_74, %dma_start3A_75] : memref<10240x64xbf16, #tpu.memory_space<hbm>> -> memref<10240x64xbf16, #tpu.memory_space<hbm>>
      tpu.enqueue_indirect_dma source(%dma_start3A_76 : memref<10240x64xbf16, #tpu.memory_space<hbm>>) target(%arg14 : memref<128x64xbf16, #tpu.memory_space<vmem>>) offsets(%dma_start3A_73 : memref<128xi32, #tpu.memory_space<vmem>>) semaphore(%arg17 : memref<!tpu.dma_semaphore, #tpu.memory_space<semaphore_mem>>)
      %dma_wait3A_77 = arith.constant 0 : i32
      %dma_wait3A_78 = tpu.memref_slice %arg10[%mul3A_57, %dma_wait3A_77] : memref<78x128xi32, #tpu.memory_space<vmem>> -> memref<1x128xi32, #tpu.memory_space<vmem>>
      %dma_wait3A_79 = tpu.memref_squeeze %dma_wait3A_78 : memref<1x128xi32, #tpu.memory_space<vmem>> -> memref<128xi32, #tpu.memory_space<vmem>>
      %dma_wait3A_80 = arith.constant 0 : i32
      %dma_wait3A_81 = arith.constant 0 : i32
      %dma_wait3A_82 = tpu.memref_slice %arg7[%dma_wait3A_80, %dma_wait3A_81] : memref<10240x64xbf16, #tpu.memory_space<vmem_shared>> -> memref<10240x64xbf16, #tpu.memory_space<vmem_shared>>
      tpu.wait_indirect_dma semaphore(%arg18 : memref<!tpu.dma_semaphore, #tpu.memory_space<semaphore_mem>>) src(%arg13 : memref<128x64xbf16, #tpu.memory_space<vmem>>) dst(%dma_wait3A_82 : memref<10240x64xbf16, #tpu.memory_space<vmem_shared>>)
      %add3A_83 = arith.constant 1 : i32
      %add3A_84 = arith.addi %mul3A_57, %add3A_83 : i32
      %dma_wait3A_85 = arith.constant 0 : i32
      %dma_wait3A_86 = tpu.memref_slice %arg9[%add3A_84, %dma_wait3A_85] : memref<78x128xi32, #tpu.memory_space<vmem>> -> memref<1x128xi32, #tpu.memory_space<vmem>>
      %dma_wait3A_87 = tpu.memref_squeeze %dma_wait3A_86 : memref<1x128xi32, #tpu.memory_space<vmem>> -> memref<128xi32, #tpu.memory_space<vmem>>
      %dma_wait3A_88 = arith.constant 0 : i32
      %dma_wait3A_89 = arith.constant 0 : i32
      %dma_wait3A_90 = tpu.memref_slice %arg2[%dma_wait3A_88, %dma_wait3A_89] : memref<10240x64xbf16, #tpu.memory_space<hbm>> -> memref<10240x64xbf16, #tpu.memory_space<hbm>>
      tpu.wait_indirect_dma semaphore(%arg17 : memref<!tpu.dma_semaphore, #tpu.memory_space<semaphore_mem>>) src(%dma_wait3A_90 : memref<10240x64xbf16, #tpu.memory_space<hbm>>) dst(%arg14 : memref<128x64xbf16, #tpu.memory_space<vmem>>)
      %add3A_91 = arith.constant 1 : i32
      %add3A_92 = arith.addi %mul3A_57, %add3A_91 : i32
      %dma_start3A_93 = arith.constant 0 : i32
      %dma_start3A_94 = tpu.memref_slice %arg10[%add3A_92, %dma_start3A_93] : memref<78x128xi32, #tpu.memory_space<vmem>> -> memref<1x128xi32, #tpu.memory_space<vmem>>
      %dma_start3A_95 = tpu.memref_squeeze %dma_start3A_94 : memref<1x128xi32, #tpu.memory_space<vmem>> -> memref<128xi32, #tpu.memory_space<vmem>>
      %dma_start3A_96 = arith.constant 0 : i32
      %dma_start3A_97 = arith.constant 0 : i32
      %dma_start3A_98 = tpu.memref_slice %arg7[%dma_start3A_96, %dma_start3A_97] : memref<10240x64xbf16, #tpu.memory_space<vmem_shared>> -> memref<10240x64xbf16, #tpu.memory_space<vmem_shared>>
      tpu.enqueue_indirect_dma source(%arg14 : memref<128x64xbf16, #tpu.memory_space<vmem>>) target(%dma_start3A_98 : memref<10240x64xbf16, #tpu.memory_space<vmem_shared>>) offsets(%dma_start3A_95 : memref<128xi32, #tpu.memory_space<vmem>>) semaphore(%arg19 : memref<!tpu.dma_semaphore, #tpu.memory_space<semaphore_mem>>) {add = true}
      %lt3A_99 = arith.constant 38 : i32
      %lt3A_100 = arith.cmpi slt, %scan3A_55, %lt3A_99 : i32
      %convert_element_type3A = arith.extui %lt3A_100 : i1 to i32
      %cond3A = arith.constant 0 : i32
      %cond3A_101 = arith.cmpi ne, %convert_element_type3A, %cond3A : i32
      scf.if %cond3A_101 {
        %add3A_108 = arith.constant 2 : i32
        %add3A_109 = arith.addi %mul3A_57, %add3A_108 : i32
        %dma_start3A_110 = arith.constant 0 : i32
        %dma_start3A_111 = tpu.memref_slice %arg9[%add3A_109, %dma_start3A_110] : memref<78x128xi32, #tpu.memory_space<vmem>> -> memref<1x128xi32, #tpu.memory_space<vmem>>
        %dma_start3A_112 = tpu.memref_squeeze %dma_start3A_111 : memref<1x128xi32, #tpu.memory_space<vmem>> -> memref<128xi32, #tpu.memory_space<vmem>>
        %dma_start3A_113 = arith.constant 0 : i32
        %dma_start3A_114 = arith.constant 0 : i32
        %dma_start3A_115 = tpu.memref_slice %arg2[%dma_start3A_113, %dma_start3A_114] : memref<10240x64xbf16, #tpu.memory_space<hbm>> -> memref<10240x64xbf16, #tpu.memory_space<hbm>>
        tpu.enqueue_indirect_dma source(%dma_start3A_115 : memref<10240x64xbf16, #tpu.memory_space<hbm>>) target(%arg13 : memref<128x64xbf16, #tpu.memory_space<vmem>>) offsets(%dma_start3A_112 : memref<128xi32, #tpu.memory_space<vmem>>) semaphore(%arg16 : memref<!tpu.dma_semaphore, #tpu.memory_space<semaphore_mem>>)
      } else {
      }
      %dma_wait3A_102 = arith.constant 0 : i32
      %dma_wait3A_103 = tpu.memref_slice %arg10[%add3A_92, %dma_wait3A_102] : memref<78x128xi32, #tpu.memory_space<vmem>> -> memref<1x128xi32, #tpu.memory_space<vmem>>
      %dma_wait3A_104 = tpu.memref_squeeze %dma_wait3A_103 : memref<1x128xi32, #tpu.memory_space<vmem>> -> memref<128xi32, #tpu.memory_space<vmem>>
      %dma_wait3A_105 = arith.constant 0 : i32
      %dma_wait3A_106 = arith.constant 0 : i32
      %dma_wait3A_107 = tpu.memref_slice %arg7[%dma_wait3A_105, %dma_wait3A_106] : memref<10240x64xbf16, #tpu.memory_space<vmem_shared>> -> memref<10240x64xbf16, #tpu.memory_space<vmem_shared>>
      tpu.wait_indirect_dma semaphore(%arg19 : memref<!tpu.dma_semaphore, #tpu.memory_space<semaphore_mem>>) src(%arg14 : memref<128x64xbf16, #tpu.memory_space<vmem>>) dst(%dma_wait3A_107 : memref<10240x64xbf16, #tpu.memory_space<vmem_shared>>)
    }
    %scan3A_53 = arith.constant 39 : i32
    "tpu.region"() ({
      %run_scoped3A = tpu.sem_alloc : memref<!tpu.dma_semaphore, #tpu.memory_space<semaphore_mem>>
      %dma_start3A_55 = arith.constant 0 : i32
      %dma_start3A_56 = arith.constant 0 : i32
      %dma_start3A_57 = tpu.memref_slice %arg2[%dma_start3A_55, %dma_start3A_56] : memref<10240x64xbf16, #tpu.memory_space<hbm>> -> memref<10240x64xbf16, #tpu.memory_space<hbm>>
      tpu.enqueue_indirect_dma source(%dma_start3A_57 : memref<10240x64xbf16, #tpu.memory_space<hbm>>) target(%arg15 : memref<16x64xbf16, #tpu.memory_space<vmem>>) offsets(%arg11 : memref<16xi32, #tpu.memory_space<vmem>>) semaphore(%run_scoped3A : memref<!tpu.dma_semaphore, #tpu.memory_space<semaphore_mem>>)
      %dma_wait3A = arith.constant 0 : i32
      %dma_wait3A_58 = arith.constant 0 : i32
      %dma_wait3A_59 = tpu.memref_slice %arg2[%dma_wait3A, %dma_wait3A_58] : memref<10240x64xbf16, #tpu.memory_space<hbm>> -> memref<10240x64xbf16, #tpu.memory_space<hbm>>
      tpu.wait_indirect_dma semaphore(%run_scoped3A : memref<!tpu.dma_semaphore, #tpu.memory_space<semaphore_mem>>) src(%dma_wait3A_59 : memref<10240x64xbf16, #tpu.memory_space<hbm>>) dst(%arg15 : memref<16x64xbf16, #tpu.memory_space<vmem>>)
      tpu.yield
    }) : () -> ()
    "tpu.region"() ({
      %run_scoped3A = tpu.sem_alloc : memref<!tpu.dma_semaphore, #tpu.memory_space<semaphore_mem>>
      %dma_start3A_55 = arith.constant 0 : i32
      %dma_start3A_56 = arith.constant 0 : i32
      %dma_start3A_57 = tpu.memref_slice %arg7[%dma_start3A_55, %dma_start3A_56] : memref<10240x64xbf16, #tpu.memory_space<vmem_shared>> -> memref<10240x64xbf16, #tpu.memory_space<vmem_shared>>
      tpu.enqueue_indirect_dma source(%arg15 : memref<16x64xbf16, #tpu.memory_space<vmem>>) target(%dma_start3A_57 : memref<10240x64xbf16, #tpu.memory_space<vmem_shared>>) offsets(%arg12 : memref<16xi32, #tpu.memory_space<vmem>>) semaphore(%run_scoped3A : memref<!tpu.dma_semaphore, #tpu.memory_space<semaphore_mem>>) {add = true}
      %dma_wait3A = arith.constant 0 : i32
      %dma_wait3A_58 = arith.constant 0 : i32
      %dma_wait3A_59 = tpu.memref_slice %arg7[%dma_wait3A, %dma_wait3A_58] : memref<10240x64xbf16, #tpu.memory_space<vmem_shared>> -> memref<10240x64xbf16, #tpu.memory_space<vmem_shared>>
      tpu.wait_indirect_dma semaphore(%run_scoped3A : memref<!tpu.dma_semaphore, #tpu.memory_space<semaphore_mem>>) src(%arg15 : memref<16x64xbf16, #tpu.memory_space<vmem>>) dst(%dma_wait3A_59 : memref<10240x64xbf16, #tpu.memory_space<vmem_shared>>)
      tpu.yield
    }) : () -> ()
    %barrier3A_54 = arith.constant 0 : index
    tpu.barrier barrier_id(%barrier3A_54)
    "tpu.region"() ({
      %run_scoped3A = tpu.sem_alloc : memref<!tpu.dma_semaphore, #tpu.memory_space<semaphore_mem>>
      %dma_start3A_55 = arith.constant 0 : i32
      %dma_start3A_56 = tpu.memref_slice %arg7[%mul3A_0, %dma_start3A_55] : memref<10240x64xbf16, #tpu.memory_space<vmem_shared>> -> memref<640x64xbf16, #tpu.memory_space<vmem_shared>>
      %dma_start3A_57 = arith.constant 0 : i32
      %dma_start3A_58 = tpu.memref_slice %arg7[%mul3A_0, %dma_start3A_57] : memref<10240x64xbf16, #tpu.memory_space<vmem_shared>> -> memref<640x64xbf16, #tpu.memory_space<vmem_shared>>
      tpu.enqueue_dma source(%dma_start3A_58 : memref<640x64xbf16, #tpu.memory_space<vmem_shared>>) target(%arg8 : memref<640x64xbf16, #tpu.memory_space<vmem>>) target_semaphore(%run_scoped3A : memref<!tpu.dma_semaphore, #tpu.memory_space<semaphore_mem>>)
      %dma_wait3A = arith.constant 0 : i32
      %dma_wait3A_59 = tpu.memref_slice %arg7[%mul3A_0, %dma_wait3A] : memref<10240x64xbf16, #tpu.memory_space<vmem_shared>> -> memref<640x64xbf16, #tpu.memory_space<vmem_shared>>
      %dma_wait3A_60 = arith.constant 0 : i32
      %dma_wait3A_61 = tpu.memref_slice %arg7[%mul3A_0, %dma_wait3A_60] : memref<10240x64xbf16, #tpu.memory_space<vmem_shared>> -> memref<640x64xbf16, #tpu.memory_space<vmem_shared>>
      tpu.wait_dma2 semaphore(%run_scoped3A : memref<!tpu.dma_semaphore, #tpu.memory_space<semaphore_mem>>) src(%dma_wait3A_61 : memref<640x64xbf16, #tpu.memory_space<vmem_shared>>) dst(%arg8 : memref<640x64xbf16, #tpu.memory_space<vmem>>)
      tpu.yield
    }) : () -> ()
    "tpu.region"() ({
      %run_scoped3A = tpu.sem_alloc : memref<!tpu.dma_semaphore, #tpu.memory_space<semaphore_mem>>
      %dma_start3A_55 = arith.constant 0 : i32
      %dma_start3A_56 = tpu.memref_slice %arg6[%arg0, %mul3A_0, %dma_start3A_55] : memref<2x10240x64xbf16, #tpu.memory_space<hbm>> -> memref<1x640x64xbf16, #tpu.memory_space<hbm>>
      %dma_start3A_57 = tpu.memref_squeeze %dma_start3A_56 : memref<1x640x64xbf16, #tpu.memory_space<hbm>> -> memref<640x64xbf16, #tpu.memory_space<hbm>>
      %dma_start3A_58 = arith.constant 0 : i32
      %dma_start3A_59 = tpu.memref_slice %arg6[%arg0, %mul3A_0, %dma_start3A_58] : memref<2x10240x64xbf16, #tpu.memory_space<hbm>> -> memref<1x640x64xbf16, #tpu.memory_space<hbm>>
      %dma_start3A_60 = tpu.memref_squeeze %dma_start3A_59 : memref<1x640x64xbf16, #tpu.memory_space<hbm>> -> memref<640x64xbf16, #tpu.memory_space<hbm>>
      tpu.enqueue_dma source(%arg8 : memref<640x64xbf16, #tpu.memory_space<vmem>>) target(%dma_start3A_60 : memref<640x64xbf16, #tpu.memory_space<hbm>>) target_semaphore(%run_scoped3A : memref<!tpu.dma_semaphore, #tpu.memory_space<semaphore_mem>>)
      %dma_wait3A = arith.constant 0 : i32
      %dma_wait3A_61 = tpu.memref_slice %arg6[%arg0, %mul3A_0, %dma_wait3A] : memref<2x10240x64xbf16, #tpu.memory_space<hbm>> -> memref<1x640x64xbf16, #tpu.memory_space<hbm>>
      %dma_wait3A_62 = tpu.memref_squeeze %dma_wait3A_61 : memref<1x640x64xbf16, #tpu.memory_space<hbm>> -> memref<640x64xbf16, #tpu.memory_space<hbm>>
      %dma_wait3A_63 = arith.constant 0 : i32
      %dma_wait3A_64 = tpu.memref_slice %arg6[%arg0, %mul3A_0, %dma_wait3A_63] : memref<2x10240x64xbf16, #tpu.memory_space<hbm>> -> memref<1x640x64xbf16, #tpu.memory_space<hbm>>
      %dma_wait3A_65 = tpu.memref_squeeze %dma_wait3A_64 : memref<1x640x64xbf16, #tpu.memory_space<hbm>> -> memref<640x64xbf16, #tpu.memory_space<hbm>>
      tpu.wait_dma2 semaphore(%run_scoped3A : memref<!tpu.dma_semaphore, #tpu.memory_space<semaphore_mem>>) src(%arg8 : memref<640x64xbf16, #tpu.memory_space<vmem>>) dst(%dma_wait3A_65 : memref<640x64xbf16, #tpu.memory_space<hbm>>)
      tpu.yield
    }) : () -> ()
    return
  }
}

module attributes {stable_mosaic.version = 14 : i64} {
  func.func @_tc1_body(%arg0: memref<10000x128xf32, #tpu.memory_space<vmem>>, %arg1: memref<128x64xf32, #tpu.memory_space<vmem>>, %arg2: memref<128x64xf32, #tpu.memory_space<vmem>>, %arg3: memref<1x64xf32, #tpu.memory_space<vmem>>, %arg4: memref<10240x96xbf16, #tpu.memory_space<vmem>>, %arg5: memref<10000x64xf32, #tpu.memory_space<vmem>>) attributes {dimension_semantics = [], scalar_prefetch = 0 : i64, scratch_operands = 0 : i64, tpu.core_type = #tpu.core_type<tc>} {
    %get3A = arith.constant 0 : index
    %get3A_0 = arith.constant 0 : index
    %get3A_1 = vector.load %arg0[%get3A, %get3A_0] : memref<10000x128xf32, #tpu.memory_space<vmem>>, vector<10000x128xf32>
    %get3A_2 = arith.constant 0 : index
    %get3A_3 = arith.constant 0 : index
    %get3A_4 = vector.load %arg1[%get3A_2, %get3A_3] : memref<128x64xf32, #tpu.memory_space<vmem>>, vector<128x64xf32>
    %dot_general3A = arith.constant dense<0.000000e+00> : vector<10000x64xf32>
    %dot_general3A_5 = tpu.matmul %get3A_1, %get3A_4, %dot_general3A {dimension_numbers = #tpu.dot_dimension_numbers<[1], [0], [0], [1], [0, 0, 1, 1], [], []>, precision = #tpu.contract_precision<fp32>, transpose_lhs_hint = false} : vector<10000x128xf32>, vector<128x64xf32>, vector<10000x64xf32> -> vector<10000x64xf32>
    %broadcast_in_dim3A = arith.constant 1.000000e+00 : f32
    %broadcast_in_dim3A_6 = vector.broadcast %broadcast_in_dim3A : f32 to vector<10000x32xf32>
    %concatenate3A = tpu.concatenate %dot_general3A_5, %broadcast_in_dim3A_6 in 1 : vector<10000x64xf32>, vector<10000x32xf32> -> vector<10000x96xf32>
    %broadcast_in_dim3A_7 = arith.constant 0.000000e+00 : f32
    %broadcast_in_dim3A_8 = vector.broadcast %broadcast_in_dim3A_7 : f32 to vector<240x96xf32>
    %concatenate3A_9 = tpu.concatenate %concatenate3A, %broadcast_in_dim3A_8 in 0 : vector<10000x96xf32>, vector<240x96xf32> -> vector<10240x96xf32>
    %convert_element_type3A = arith.truncf %concatenate3A_9 : vector<10240x96xf32> to vector<10240x96xbf16>
    %swap3A = arith.constant 0 : index
    %swap3A_10 = arith.constant 0 : index
    %swap3A_11 = vector.load %arg4[%swap3A, %swap3A_10] : memref<10240x96xbf16, #tpu.memory_space<vmem>>, vector<10240x96xbf16>
    tpu.vector_store %arg4[%swap3A, %swap3A_10], %convert_element_type3A {strides = array<i32>} : memref<10240x96xbf16, #tpu.memory_space<vmem>>, vector<10240x96xbf16>,
    %get3A_12 = arith.constant 0 : index
    %get3A_13 = arith.constant 0 : index
    %get3A_14 = vector.load %arg2[%get3A_12, %get3A_13] : memref<128x64xf32, #tpu.memory_space<vmem>>, vector<128x64xf32>
    %dot_general3A_15 = arith.constant dense<0.000000e+00> : vector<10000x64xf32>
    %dot_general3A_16 = tpu.matmul %get3A_1, %get3A_14, %dot_general3A_15 {dimension_numbers = #tpu.dot_dimension_numbers<[1], [0], [0], [1], [0, 0, 1, 1], [], []>, precision = #tpu.contract_precision<fp32>, transpose_lhs_hint = false} : vector<10000x128xf32>, vector<128x64xf32>, vector<10000x64xf32> -> vector<10000x64xf32>
    %get3A_17 = arith.constant 0 : index
    %get3A_18 = arith.constant 0 : index
    %get3A_19 = vector.load %arg3[%get3A_17, %get3A_18] : memref<1x64xf32, #tpu.memory_space<vmem>>, vector<1x64xf32>
    %add3A = vector.broadcast %get3A_19 : vector<1x64xf32> to vector<10000x64xf32>
    %add3A_20 = arith.addf %dot_general3A_16, %add3A : vector<10000x64xf32>
    %swap3A_21 = arith.constant 0 : index
    %swap3A_22 = arith.constant 0 : index
    %swap3A_23 = vector.load %arg5[%swap3A_21, %swap3A_22] : memref<10000x64xf32, #tpu.memory_space<vmem>>, vector<10000x64xf32>
    tpu.vector_store %arg5[%swap3A_21, %swap3A_22], %add3A_20 {strides = array<i32>} : memref<10000x64xf32, #tpu.memory_space<vmem>>, vector<10000x64xf32>,
    return
  }
}

module attributes {stable_mosaic.version = 14 : i64} {
  func.func @_tc2_body(%arg0: memref<2x10240x96xbf16, #tpu.memory_space<vmem>>, %arg1: memref<10000x64xf32, #tpu.memory_space<vmem>>, %arg2: memref<1x64xf32, #tpu.memory_space<vmem>>, %arg3: memref<1x64xf32, #tpu.memory_space<vmem>>, %arg4: memref<64x64xf32, #tpu.memory_space<vmem>>, %arg5: memref<64x64xf32, #tpu.memory_space<vmem>>, %arg6: memref<1x64xf32, #tpu.memory_space<vmem>>, %arg7: memref<10240x64xbf16, #tpu.memory_space<vmem>>, %arg8: memref<10000x64xf32, #tpu.memory_space<vmem>>, %arg9: memref<10000x64xf32, #tpu.memory_space<vmem>>) attributes {dimension_semantics = [], scalar_prefetch = 0 : i64, scratch_operands = 0 : i64, tpu.core_type = #tpu.core_type<tc>} {
    %get3A = arith.constant 0 : index
    %get3A_0 = arith.constant 0 : index
    %get3A_1 = arith.constant 0 : index
    %get3A_2 = vector.load %arg0[%get3A, %get3A_0, %get3A_1] : memref<2x10240x96xbf16, #tpu.memory_space<vmem>>, vector<1x10000x96xbf16>
    %get3A_3 = vector.shape_cast %get3A_2 : vector<1x10000x96xbf16> to vector<10000x96xbf16>
    %convert_element_type3A = arith.extf %get3A_3 : vector<10000x96xbf16> to vector<10000x96xf32>
    %get3A_4 = arith.constant 1 : index
    %get3A_5 = arith.constant 0 : index
    %get3A_6 = arith.constant 0 : index
    %get3A_7 = vector.load %arg0[%get3A_4, %get3A_5, %get3A_6] : memref<2x10240x96xbf16, #tpu.memory_space<vmem>>, vector<1x10000x96xbf16>
    %get3A_8 = vector.shape_cast %get3A_7 : vector<1x10000x96xbf16> to vector<10000x96xbf16>
    %convert_element_type3A_9 = arith.extf %get3A_8 : vector<10000x96xbf16> to vector<10000x96xf32>
    %add3A = arith.addf %convert_element_type3A, %convert_element_type3A_9 : vector<10000x96xf32>
    %slice3A = vector.extract_strided_slice %add3A {offsets = [0, 64], sizes = [10000, 16], strides = [1, 1]} : vector<10000x96xf32> to vector<10000x16xf32>
    %max3A = arith.constant 1.000000e+00 : f32
    %max3A_10 = vector.broadcast %max3A : f32 to vector<10000x16xf32>
    %max3A_11 = arith.maximumf %slice3A, %max3A_10 : vector<10000x16xf32>
    %div3A = arith.constant 1.000000e+00 : f32
    %div3A_12 = vector.broadcast %div3A : f32 to vector<10000x16xf32>
    %div3A_13 = arith.divf %div3A_12, %max3A_11 : vector<10000x16xf32>
    %concatenate3A = tpu.concatenate %div3A_13, %div3A_13, %div3A_13, %div3A_13 in 1 : vector<10000x16xf32>, vector<10000x16xf32>, vector<10000x16xf32>, vector<10000x16xf32> -> vector<10000x64xf32>
    %slice3A_14 = vector.extract_strided_slice %add3A {offsets = [0, 0], sizes = [10000, 64], strides = [1, 1]} : vector<10000x96xf32> to vector<10000x64xf32>
    %mul3A = arith.mulf %slice3A_14, %concatenate3A : vector<10000x64xf32>
    %get3A_15 = arith.constant 0 : index
    %get3A_16 = arith.constant 0 : index
    %get3A_17 = vector.load %arg1[%get3A_15, %get3A_16] : memref<10000x64xf32, #tpu.memory_space<vmem>>, vector<10000x64xf32>
    %add3A_18 = arith.addf %mul3A, %get3A_17 : vector<10000x64xf32>
    %get3A_19 = arith.constant 0 : index
    %get3A_20 = arith.constant 0 : index
    %get3A_21 = vector.load %arg2[%get3A_19, %get3A_20] : memref<1x64xf32, #tpu.memory_space<vmem>>, vector<1x64xf32>
    %get3A_22 = arith.constant 0 : index
    %get3A_23 = arith.constant 0 : index
    %get3A_24 = vector.load %arg3[%get3A_22, %get3A_23] : memref<1x64xf32, #tpu.memory_space<vmem>>, vector<1x64xf32>
    %reduce_sum3A = arith.constant dense<0.000000e+00> : vector<64xf32>
    %reduce_sum3A_25 = vector.multi_reduction <add>, %add3A_18, %reduce_sum3A [0] : vector<10000x64xf32> to vector<64xf32>
    %broadcast_in_dim3A = vector.shape_cast %reduce_sum3A_25 : vector<64xf32> to vector<1x64xf32>
    %div3A_26 = arith.constant 1.000000e+04 : f32
    %div3A_27 = vector.broadcast %div3A_26 : f32 to vector<1x64xf32>
    %div3A_28 = arith.divf %broadcast_in_dim3A, %div3A_27 : vector<1x64xf32>
    %sub3A = vector.broadcast %div3A_28 : vector<1x64xf32> to vector<10000x64xf32>
    %sub3A_29 = arith.subf %add3A_18, %sub3A : vector<10000x64xf32>
    %sub3A_30 = vector.broadcast %div3A_28 : vector<1x64xf32> to vector<10000x64xf32>
    %sub3A_31 = arith.subf %add3A_18, %sub3A_30 : vector<10000x64xf32>
    %mul3A_32 = arith.mulf %sub3A_29, %sub3A_31 : vector<10000x64xf32>
    %reduce_sum3A_33 = arith.constant dense<0.000000e+00> : vector<64xf32>
    %reduce_sum3A_34 = vector.multi_reduction <add>, %mul3A_32, %reduce_sum3A_33 [0] : vector<10000x64xf32> to vector<64xf32>
    %broadcast_in_dim3A_35 = vector.shape_cast %reduce_sum3A_34 : vector<64xf32> to vector<1x64xf32>
    %div3A_36 = arith.constant 1.000000e+04 : f32
    %div3A_37 = vector.broadcast %div3A_36 : f32 to vector<1x64xf32>
    %div3A_38 = arith.divf %broadcast_in_dim3A_35, %div3A_37 : vector<1x64xf32>
    %sub3A_39 = vector.broadcast %div3A_28 : vector<1x64xf32> to vector<10000x64xf32>
    %sub3A_40 = arith.subf %add3A_18, %sub3A_39 : vector<10000x64xf32>
    %add3A_41 = arith.constant 9.99999974E-6 : f32
    %add3A_42 = vector.broadcast %add3A_41 : f32 to vector<1x64xf32>
    %add3A_43 = arith.addf %div3A_38, %add3A_42 : vector<1x64xf32>
    %rsqrt3A = math.rsqrt %add3A_43 : vector<1x64xf32>
    %mul3A_44 = vector.broadcast %rsqrt3A : vector<1x64xf32> to vector<10000x64xf32>
    %mul3A_45 = arith.mulf %sub3A_40, %mul3A_44 : vector<10000x64xf32>
    %mul3A_46 = vector.broadcast %get3A_21 : vector<1x64xf32> to vector<10000x64xf32>
    %mul3A_47 = arith.mulf %mul3A_45, %mul3A_46 : vector<10000x64xf32>
    %add3A_48 = vector.broadcast %get3A_24 : vector<1x64xf32> to vector<10000x64xf32>
    %add3A_49 = arith.addf %mul3A_47, %add3A_48 : vector<10000x64xf32>
    %max3A_50 = arith.constant 0.000000e+00 : f32
    %max3A_51 = vector.broadcast %max3A_50 : f32 to vector<10000x64xf32>
    %max3A_52 = arith.maximumf %add3A_49, %max3A_51 : vector<10000x64xf32>
    %get3A_53 = arith.constant 0 : index
    %get3A_54 = arith.constant 0 : index
    %get3A_55 = vector.load %arg4[%get3A_53, %get3A_54] : memref<64x64xf32, #tpu.memory_space<vmem>>, vector<64x64xf32>
    %dot_general3A = arith.constant dense<0.000000e+00> : vector<10000x64xf32>
    %dot_general3A_56 = tpu.matmul %max3A_52, %get3A_55, %dot_general3A {dimension_numbers = #tpu.dot_dimension_numbers<[1], [0], [0], [1], [0, 0, 1, 1], [], []>, precision = #tpu.contract_precision<fp32>, transpose_lhs_hint = false} : vector<10000x64xf32>, vector<64x64xf32>, vector<10000x64xf32> -> vector<10000x64xf32>
    %broadcast_in_dim3A_57 = arith.constant 0.000000e+00 : f32
    %broadcast_in_dim3A_58 = vector.broadcast %broadcast_in_dim3A_57 : f32 to vector<240x64xf32>
    %concatenate3A_59 = tpu.concatenate %dot_general3A_56, %broadcast_in_dim3A_58 in 0 : vector<10000x64xf32>, vector<240x64xf32> -> vector<10240x64xf32>
    %convert_element_type3A_60 = arith.truncf %concatenate3A_59 : vector<10240x64xf32> to vector<10240x64xbf16>
    %swap3A = arith.constant 0 : index
    %swap3A_61 = arith.constant 0 : index
    %swap3A_62 = vector.load %arg7[%swap3A, %swap3A_61] : memref<10240x64xbf16, #tpu.memory_space<vmem>>, vector<10240x64xbf16>
    tpu.vector_store %arg7[%swap3A, %swap3A_61], %convert_element_type3A_60 {strides = array<i32>} : memref<10240x64xbf16, #tpu.memory_space<vmem>>, vector<10240x64xbf16>,
    %get3A_63 = arith.constant 0 : index
    %get3A_64 = arith.constant 0 : index
    %get3A_65 = vector.load %arg5[%get3A_63, %get3A_64] : memref<64x64xf32, #tpu.memory_space<vmem>>, vector<64x64xf32>
    %dot_general3A_66 = arith.constant dense<0.000000e+00> : vector<10000x64xf32>
    %dot_general3A_67 = tpu.matmul %max3A_52, %get3A_65, %dot_general3A_66 {dimension_numbers = #tpu.dot_dimension_numbers<[1], [0], [0], [1], [0, 0, 1, 1], [], []>, precision = #tpu.contract_precision<fp32>, transpose_lhs_hint = false} : vector<10000x64xf32>, vector<64x64xf32>, vector<10000x64xf32> -> vector<10000x64xf32>
    %get3A_68 = arith.constant 0 : index
    %get3A_69 = arith.constant 0 : index
    %get3A_70 = vector.load %arg6[%get3A_68, %get3A_69] : memref<1x64xf32, #tpu.memory_space<vmem>>, vector<1x64xf32>
    %add3A_71 = vector.broadcast %get3A_70 : vector<1x64xf32> to vector<10000x64xf32>
    %add3A_72 = arith.addf %dot_general3A_67, %add3A_71 : vector<10000x64xf32>
    %swap3A_73 = arith.constant 0 : index
    %swap3A_74 = arith.constant 0 : index
    %swap3A_75 = vector.load %arg8[%swap3A_73, %swap3A_74] : memref<10000x64xf32, #tpu.memory_space<vmem>>, vector<10000x64xf32>
    tpu.vector_store %arg8[%swap3A_73, %swap3A_74], %add3A_72 {strides = array<i32>} : memref<10000x64xf32, #tpu.memory_space<vmem>>, vector<10000x64xf32>,
    %swap3A_76 = arith.constant 0 : index
    %swap3A_77 = arith.constant 0 : index
    %swap3A_78 = vector.load %arg9[%swap3A_76, %swap3A_77] : memref<10000x64xf32, #tpu.memory_space<vmem>>, vector<10000x64xf32>
    tpu.vector_store %arg9[%swap3A_76, %swap3A_77], %concatenate3A {strides = array<i32>} : memref<10000x64xf32, #tpu.memory_space<vmem>>, vector<10000x64xf32>,
    return
  }
}

module attributes {stable_mosaic.version = 14 : i64} {
  func.func @_tc3_body(%arg0: memref<2x10240x64xbf16, #tpu.memory_space<vmem>>, %arg1: memref<10000x64xf32, #tpu.memory_space<vmem>>, %arg2: memref<10000x64xf32, #tpu.memory_space<vmem>>, %arg3: memref<1x64xf32, #tpu.memory_space<vmem>>, %arg4: memref<1x64xf32, #tpu.memory_space<vmem>>, %arg5: memref<1x10000xi32, #tpu.memory_space<vmem>>, %arg6: memref<64x64xf32, #tpu.memory_space<vmem>>, %arg7: memref<1x64xf32, #tpu.memory_space<vmem>>, %arg8: memref<1x64xf32, #tpu.memory_space<vmem>>, %arg9: memref<1x64xf32, #tpu.memory_space<vmem>>, %arg10: memref<64x10xf32, #tpu.memory_space<vmem>>, %arg11: memref<1x10xf32, #tpu.memory_space<vmem>>, %arg12: memref<64x10xf32, #tpu.memory_space<vmem>>) attributes {dimension_semantics = [], scalar_prefetch = 0 : i64, scratch_operands = 0 : i64, tpu.core_type = #tpu.core_type<tc>} {
    %get3A = arith.constant 0 : index
    %get3A_0 = arith.constant 0 : index
    %get3A_1 = arith.constant 0 : index
    %get3A_2 = vector.load %arg0[%get3A, %get3A_0, %get3A_1] : memref<2x10240x64xbf16, #tpu.memory_space<vmem>>, vector<1x10000x64xbf16>
    %get3A_3 = vector.shape_cast %get3A_2 : vector<1x10000x64xbf16> to vector<10000x64xbf16>
    %convert_element_type3A = arith.extf %get3A_3 : vector<10000x64xbf16> to vector<10000x64xf32>
    %get3A_4 = arith.constant 1 : index
    %get3A_5 = arith.constant 0 : index
    %get3A_6 = arith.constant 0 : index
    %get3A_7 = vector.load %arg0[%get3A_4, %get3A_5, %get3A_6] : memref<2x10240x64xbf16, #tpu.memory_space<vmem>>, vector<1x10000x64xbf16>
    %get3A_8 = vector.shape_cast %get3A_7 : vector<1x10000x64xbf16> to vector<10000x64xbf16>
    %convert_element_type3A_9 = arith.extf %get3A_8 : vector<10000x64xbf16> to vector<10000x64xf32>
    %add3A = arith.addf %convert_element_type3A, %convert_element_type3A_9 : vector<10000x64xf32>
    %get3A_10 = arith.constant 0 : index
    %get3A_11 = arith.constant 0 : index
    %get3A_12 = vector.load %arg2[%get3A_10, %get3A_11] : memref<10000x64xf32, #tpu.memory_space<vmem>>, vector<10000x64xf32>
    %mul3A = arith.mulf %add3A, %get3A_12 : vector<10000x64xf32>
    %get3A_13 = arith.constant 0 : index
    %get3A_14 = arith.constant 0 : index
    %get3A_15 = vector.load %arg1[%get3A_13, %get3A_14] : memref<10000x64xf32, #tpu.memory_space<vmem>>, vector<10000x64xf32>
    %add3A_16 = arith.addf %mul3A, %get3A_15 : vector<10000x64xf32>
    %get3A_17 = arith.constant 0 : index
    %get3A_18 = arith.constant 0 : index
    %get3A_19 = vector.load %arg3[%get3A_17, %get3A_18] : memref<1x64xf32, #tpu.memory_space<vmem>>, vector<1x64xf32>
    %get3A_20 = arith.constant 0 : index
    %get3A_21 = arith.constant 0 : index
    %get3A_22 = vector.load %arg4[%get3A_20, %get3A_21] : memref<1x64xf32, #tpu.memory_space<vmem>>, vector<1x64xf32>
    %reduce_sum3A = arith.constant dense<0.000000e+00> : vector<64xf32>
    %reduce_sum3A_23 = vector.multi_reduction <add>, %add3A_16, %reduce_sum3A [0] : vector<10000x64xf32> to vector<64xf32>
    %broadcast_in_dim3A = vector.shape_cast %reduce_sum3A_23 : vector<64xf32> to vector<1x64xf32>
    %div3A = arith.constant 1.000000e+04 : f32
    %div3A_24 = vector.broadcast %div3A : f32 to vector<1x64xf32>
    %div3A_25 = arith.divf %broadcast_in_dim3A, %div3A_24 : vector<1x64xf32>
    %sub3A = vector.broadcast %div3A_25 : vector<1x64xf32> to vector<10000x64xf32>
    %sub3A_26 = arith.subf %add3A_16, %sub3A : vector<10000x64xf32>
    %sub3A_27 = vector.broadcast %div3A_25 : vector<1x64xf32> to vector<10000x64xf32>
    %sub3A_28 = arith.subf %add3A_16, %sub3A_27 : vector<10000x64xf32>
    %mul3A_29 = arith.mulf %sub3A_26, %sub3A_28 : vector<10000x64xf32>
    %reduce_sum3A_30 = arith.constant dense<0.000000e+00> : vector<64xf32>
    %reduce_sum3A_31 = vector.multi_reduction <add>, %mul3A_29, %reduce_sum3A_30 [0] : vector<10000x64xf32> to vector<64xf32>
    %broadcast_in_dim3A_32 = vector.shape_cast %reduce_sum3A_31 : vector<64xf32> to vector<1x64xf32>
    %div3A_33 = arith.constant 1.000000e+04 : f32
    %div3A_34 = vector.broadcast %div3A_33 : f32 to vector<1x64xf32>
    %div3A_35 = arith.divf %broadcast_in_dim3A_32, %div3A_34 : vector<1x64xf32>
    %sub3A_36 = vector.broadcast %div3A_25 : vector<1x64xf32> to vector<10000x64xf32>
    %sub3A_37 = arith.subf %add3A_16, %sub3A_36 : vector<10000x64xf32>
    %add3A_38 = arith.constant 9.99999974E-6 : f32
    %add3A_39 = vector.broadcast %add3A_38 : f32 to vector<1x64xf32>
    %add3A_40 = arith.addf %div3A_35, %add3A_39 : vector<1x64xf32>
    %rsqrt3A = math.rsqrt %add3A_40 : vector<1x64xf32>
    %mul3A_41 = vector.broadcast %rsqrt3A : vector<1x64xf32> to vector<10000x64xf32>
    %mul3A_42 = arith.mulf %sub3A_37, %mul3A_41 : vector<10000x64xf32>
    %mul3A_43 = vector.broadcast %get3A_19 : vector<1x64xf32> to vector<10000x64xf32>
    %mul3A_44 = arith.mulf %mul3A_42, %mul3A_43 : vector<10000x64xf32>
    %add3A_45 = vector.broadcast %get3A_22 : vector<1x64xf32> to vector<10000x64xf32>
    %add3A_46 = arith.addf %mul3A_44, %add3A_45 : vector<10000x64xf32>
    %max3A = arith.constant 0.000000e+00 : f32
    %max3A_47 = vector.broadcast %max3A : f32 to vector<10000x64xf32>
    %max3A_48 = arith.maximumf %add3A_46, %max3A_47 : vector<10000x64xf32>
    %iota3A = tpu.iota {dimensions = array<i32: 0>} : vector<64x10000xi32>
    %get3A_49 = arith.constant 0 : index
    %get3A_50 = arith.constant 0 : index
    %get3A_51 = vector.load %arg5[%get3A_49, %get3A_50] : memref<1x10000xi32, #tpu.memory_space<vmem>>, vector<1x10000xi32>
    %eq3A = vector.broadcast %get3A_51 : vector<1x10000xi32> to vector<64x10000xi32>
    %eq3A_52 = arith.cmpi eq, %iota3A, %eq3A : vector<64x10000xi32>
    %convert_element_type3A_53 = arith.extui %eq3A_52 : vector<64x10000xi1> to vector<64x10000xi32>
    %convert_element_type3A_54 = arith.sitofp %convert_element_type3A_53 : vector<64x10000xi32> to vector<64x10000xf32>
    %dot_general3A = arith.constant dense<0.000000e+00> : vector<64x64xf32>
    %dot_general3A_55 = tpu.matmul %convert_element_type3A_54, %max3A_48, %dot_general3A {dimension_numbers = #tpu.dot_dimension_numbers<[1], [0], [0], [1], [0, 0, 1, 1], [], []>, precision = #tpu.contract_precision<fp32>, transpose_lhs_hint = false} : vector<64x10000xf32>, vector<10000x64xf32>, vector<64x64xf32> -> vector<64x64xf32>
    %reduce_sum3A_56 = arith.constant dense<0.000000e+00> : vector<64xf32>
    %reduce_sum3A_57 = vector.multi_reduction <add>, %convert_element_type3A_54, %reduce_sum3A_56 [1] : vector<64x10000xf32> to vector<64xf32>
    %broadcast_in_dim3A_58 = vector.shape_cast %reduce_sum3A_57 : vector<64xf32> to vector<64x1xf32>
    %max3A_59 = arith.constant 1.000000e+00 : f32
    %max3A_60 = vector.broadcast %max3A_59 : f32 to vector<64x1xf32>
    %max3A_61 = arith.maximumf %broadcast_in_dim3A_58, %max3A_60 : vector<64x1xf32>
    %div3A_62 = vector.broadcast %max3A_61 : vector<64x1xf32> to vector<64x64xf32>
    %div3A_63 = arith.divf %dot_general3A_55, %div3A_62 : vector<64x64xf32>
    %get3A_64 = arith.constant 0 : index
    %get3A_65 = arith.constant 0 : index
    %get3A_66 = vector.load %arg6[%get3A_64, %get3A_65] : memref<64x64xf32, #tpu.memory_space<vmem>>, vector<64x64xf32>
    %dot_general3A_67 = arith.constant dense<0.000000e+00> : vector<64x64xf32>
    %dot_general3A_68 = tpu.matmul %div3A_63, %get3A_66, %dot_general3A_67 {dimension_numbers = #tpu.dot_dimension_numbers<[1], [0], [0], [1], [0, 0, 1, 1], [], []>, precision = #tpu.contract_precision<fp32>, transpose_lhs_hint = false} : vector<64x64xf32>, vector<64x64xf32>, vector<64x64xf32> -> vector<64x64xf32>
    %get3A_69 = arith.constant 0 : index
    %get3A_70 = arith.constant 0 : index
    %get3A_71 = vector.load %arg7[%get3A_69, %get3A_70] : memref<1x64xf32, #tpu.memory_space<vmem>>, vector<1x64xf32>
    %add3A_72 = vector.broadcast %get3A_71 : vector<1x64xf32> to vector<64x64xf32>
    %add3A_73 = arith.addf %dot_general3A_68, %add3A_72 : vector<64x64xf32>
    %reduce_sum3A_74 = arith.constant dense<0.000000e+00> : vector<64xf32>
    %reduce_sum3A_75 = vector.multi_reduction <add>, %add3A_73, %reduce_sum3A_74 [0] : vector<64x64xf32> to vector<64xf32>
    %broadcast_in_dim3A_76 = vector.shape_cast %reduce_sum3A_75 : vector<64xf32> to vector<1x64xf32>
    %div3A_77 = arith.constant 6.400000e+01 : f32
    %div3A_78 = vector.broadcast %div3A_77 : f32 to vector<1x64xf32>
    %div3A_79 = arith.divf %broadcast_in_dim3A_76, %div3A_78 : vector<1x64xf32>
    %sub3A_80 = vector.broadcast %div3A_79 : vector<1x64xf32> to vector<64x64xf32>
    %sub3A_81 = arith.subf %add3A_73, %sub3A_80 : vector<64x64xf32>
    %sub3A_82 = vector.broadcast %div3A_79 : vector<1x64xf32> to vector<64x64xf32>
    %sub3A_83 = arith.subf %add3A_73, %sub3A_82 : vector<64x64xf32>
    %mul3A_84 = arith.mulf %sub3A_81, %sub3A_83 : vector<64x64xf32>
    %reduce_sum3A_85 = arith.constant dense<0.000000e+00> : vector<64xf32>
    %reduce_sum3A_86 = vector.multi_reduction <add>, %mul3A_84, %reduce_sum3A_85 [0] : vector<64x64xf32> to vector<64xf32>
    %broadcast_in_dim3A_87 = vector.shape_cast %reduce_sum3A_86 : vector<64xf32> to vector<1x64xf32>
    %div3A_88 = arith.constant 6.400000e+01 : f32
    %div3A_89 = vector.broadcast %div3A_88 : f32 to vector<1x64xf32>
    %div3A_90 = arith.divf %broadcast_in_dim3A_87, %div3A_89 : vector<1x64xf32>
    %sub3A_91 = vector.broadcast %div3A_79 : vector<1x64xf32> to vector<64x64xf32>
    %sub3A_92 = arith.subf %add3A_73, %sub3A_91 : vector<64x64xf32>
    %add3A_93 = arith.constant 9.99999974E-6 : f32
    %add3A_94 = vector.broadcast %add3A_93 : f32 to vector<1x64xf32>
    %add3A_95 = arith.addf %div3A_90, %add3A_94 : vector<1x64xf32>
    %rsqrt3A_96 = math.rsqrt %add3A_95 : vector<1x64xf32>
    %mul3A_97 = vector.broadcast %rsqrt3A_96 : vector<1x64xf32> to vector<64x64xf32>
    %mul3A_98 = arith.mulf %sub3A_92, %mul3A_97 : vector<64x64xf32>
    %get3A_99 = arith.constant 0 : index
    %get3A_100 = arith.constant 0 : index
    %get3A_101 = vector.load %arg8[%get3A_99, %get3A_100] : memref<1x64xf32, #tpu.memory_space<vmem>>, vector<1x64xf32>
    %mul3A_102 = vector.broadcast %get3A_101 : vector<1x64xf32> to vector<64x64xf32>
    %mul3A_103 = arith.mulf %mul3A_98, %mul3A_102 : vector<64x64xf32>
    %get3A_104 = arith.constant 0 : index
    %get3A_105 = arith.constant 0 : index
    %get3A_106 = vector.load %arg9[%get3A_104, %get3A_105] : memref<1x64xf32, #tpu.memory_space<vmem>>, vector<1x64xf32>
    %add3A_107 = vector.broadcast %get3A_106 : vector<1x64xf32> to vector<64x64xf32>
    %add3A_108 = arith.addf %mul3A_103, %add3A_107 : vector<64x64xf32>
    %max3A_109 = arith.constant 0.000000e+00 : f32
    %max3A_110 = vector.broadcast %max3A_109 : f32 to vector<64x64xf32>
    %max3A_111 = arith.maximumf %add3A_108, %max3A_110 : vector<64x64xf32>
    %get3A_112 = arith.constant 0 : index
    %get3A_113 = arith.constant 0 : index
    %get3A_114 = vector.load %arg10[%get3A_112, %get3A_113] : memref<64x10xf32, #tpu.memory_space<vmem>>, vector<64x10xf32>
    %dot_general3A_115 = arith.constant dense<0.000000e+00> : vector<64x10xf32>
    %dot_general3A_116 = tpu.matmul %max3A_111, %get3A_114, %dot_general3A_115 {dimension_numbers = #tpu.dot_dimension_numbers<[1], [0], [0], [1], [0, 0, 1, 1], [], []>, precision = #tpu.contract_precision<fp32>, transpose_lhs_hint = false} : vector<64x64xf32>, vector<64x10xf32>, vector<64x10xf32> -> vector<64x10xf32>
    %get3A_117 = arith.constant 0 : index
    %get3A_118 = arith.constant 0 : index
    %get3A_119 = vector.load %arg11[%get3A_117, %get3A_118] : memref<1x10xf32, #tpu.memory_space<vmem>>, vector<1x10xf32>
    %add3A_120 = vector.broadcast %get3A_119 : vector<1x10xf32> to vector<64x10xf32>
    %add3A_121 = arith.addf %dot_general3A_116, %add3A_120 : vector<64x10xf32>
    %reduce_max3A = arith.constant dense<0xFF800000> : vector<64xf32>
    %reduce_max3A_122 = vector.multi_reduction <maximumf>, %add3A_121, %reduce_max3A [1] : vector<64x10xf32> to vector<64xf32>
    %broadcast_in_dim3A_123 = vector.shape_cast %reduce_max3A_122 : vector<64xf32> to vector<64x1xf32>
    %sub3A_124 = vector.broadcast %broadcast_in_dim3A_123 : vector<64x1xf32> to vector<64x10xf32>
    %sub3A_125 = arith.subf %add3A_121, %sub3A_124 : vector<64x10xf32>
    %exp3A = math.exp %sub3A_125 : vector<64x10xf32>
    %reduce_sum3A_126 = arith.constant dense<0.000000e+00> : vector<64xf32>
    %reduce_sum3A_127 = vector.multi_reduction <add>, %exp3A, %reduce_sum3A_126 [1] : vector<64x10xf32> to vector<64xf32>
    %broadcast_in_dim3A_128 = vector.shape_cast %reduce_sum3A_127 : vector<64xf32> to vector<64x1xf32>
    %log3A = math.log %broadcast_in_dim3A_128 : vector<64x1xf32>
    %add3A_129 = arith.addf %broadcast_in_dim3A_123, %log3A : vector<64x1xf32>
    %sub3A_130 = vector.broadcast %add3A_129 : vector<64x1xf32> to vector<64x10xf32>
    %sub3A_131 = arith.subf %add3A_121, %sub3A_130 : vector<64x10xf32>
    %swap3A = arith.constant 0 : index
    %swap3A_132 = arith.constant 0 : index
    %swap3A_133 = vector.load %arg12[%swap3A, %swap3A_132] : memref<64x10xf32, #tpu.memory_space<vmem>>, vector<64x10xf32>
    tpu.vector_store %arg12[%swap3A, %swap3A_132], %sub3A_131 {strides = array<i32>} : memref<64x10xf32, #tpu.memory_space<vmem>>, vector<64x10xf32>,
    return
  }
}

</mosaic_0001>

<sc_bundles>
// kernel: kernel.10.cloned.1.call-start
scs
__scs_entry_jumppad:
0x0: {  	(pc) =	sbr.rel $0x88, $3  }
0x1: {  	(tag) =	ssettag $0x0;
	lr =	simm.s32 $0x1  }
0x2: {  	[smem:$0x3F8E] =	sst lr;
	_ =	strace $0xD0000000  }
0x3: {  	_ = 	snop  }
0x4: {  	_ = 	snop  }
0x5: {  	_ = 	snop  }
0x6: {  	_ = 	snop  }
0x7: {  	_ = 	snop  }
__scs_overlays_trampoline_lowered:
0x8: {  	[smem:$0x3F9D] =	sst s0  }
0x9: {  	[smem:$0x3F9E] =	sst s1  }
0xa: {  	[smem:$0x3F9F] =	sst s2  }
0xb: {  	[smem:$0x3FA0] =	sst s3  }
0xc: {  	[smem:$0x3FA1] =	sst s4  }
0xd: {  	[smem:$0x3FA2] =	sst s5  }
0xe: {  	[smem:$0x3FA3] =	sst s6  }
0xf: {  	[smem:$0x3FA4] =	sst s7  }
0x10: {  	[smem:$0x3FA5] =	sst s8  }
0x11: {  	[smem:$0x3FA6] =	sst s9;
	s0 =	simm.s32 @!p0 $0x0  }
0x12: {  	s1 =	sld [smem:$0x3F8C];
	s0 =	simm.s32 @p0 $0x1  }
0x13: {  	[smem:$0x3FA7] =	sst s0;
	s0 =	simm.s32 @!p1 $0x0  }
0x14: {  	s2 =	sld [smem:$0x3F8B];
	s0 =	simm.s32 @p1 $0x1  }
0x15: {  	[smem:$0x3FA8] =	sst s0;
	s0 =	simm.s32 @!p2 $0x0  }
0x16: {  	s3 =	sld [smem:$0x3FDB];
	s0 =	simm.s32 @p2 $0x1  }
0x17: {  	s4 =	simm.s32 $0x1BF5;
	[smem:$0x3FAA] =	sst s0  }
0x18: {  	s0 =	sld [smem:$0x3F8D];
	_ =	swait.ge [sflag:s4], $0x0  }
0x19: {  	s7 =	sld [smem:$0x3F8E]  }
0x1a: {  	s8 =	sadd.s32 $0xFFFFE003, lr  }
0x1b: {  	s9 =	sadd.s32 $0xFFFFFEF7, lr;
	s5 =	simm.s32 $0xFFFFFFFF;
	p2 =	slt.u32 s8, $0xFFFFF086  }
0x1c: {  	p1 =	slt.u32 s9, $0xF7A;
	s5 =	simm.s32 @!p2 $0x0  }
0x1d: {  	s5 =	simm.s32 @p1 $0x1;
	p0 =	seq.s32 s7, s2  }
0x1e: {  	s7 =	smul.u32 @!p0 $0xF7A, s2;
	p2 =	seq.s32 @!p0 s5, $0x0  }
0x1f: {  	s9 =	smul.u32 $0xF7A, s1;
	s8 =	simm.s32 @!p0 $0x1BF5;
	p2 =	por !p2, p0  }
0x20: {  	[sflag:s8] =	ssyncset.s32 @!p0 $0xFFFFF086;
	s6 =	sadd.s32 @!p0 s3, s7;
	s7 =	simm.s32 @!p0 $0x108  }
0x21: {  	s3 =	sadd.s32 s3, s9;
	s6 =	sadd.s32 @!p0 $0x88, s6;
	s7 =	simm.s32 @p2 $0x1082  }
0x22: {  	[simem:s7], [sflag:s8] =	dma.local @!p0 [hbm:s6], $0xF7A  }
0x23: {  	s9 =	sor.u32 $0xD0000000, s2;
	s6 =	simm.s32 $0x108;
	_ =	swait.ge @!p0 [sflag:s8], $0x0  }
0x24: {  	s3 =	sadd.s32 $0x88, s3;
	s6 =	simm.s32 @!p1 $0x1082;
	[sflag:s4] =	ssyncset.s32 $0xFFFFF086  }
0x25: {  	[simem:s6], [sflag:s4] =	dma.local [hbm:s3], $0xF7A  }
0x26: {  	[smem:$0x3F8E] =	sst s1;
	(tag) =	ssettag s2;
	_ =	strace s9  }
0x27: {  	s1 =	sld [smem:$0x3F9E]  }
0x28: {  	s2 =	sld [smem:$0x3F9F]  }
0x29: {  	s4 =	sld [smem:$0x3FA1]  }
0x2a: {  	p0 =	seq.s32 s5, $0x0;
	s5 =	sld [smem:$0x3FA2]  }
0x2b: {  	s6 =	sld [smem:$0x3FA3]  }
0x2c: {  	s7 =	sld [smem:$0x3FA4]  }
0x2d: {  	s3 =	simm.s32 $0x108;
	s8 =	sld [smem:$0x3FA5]  }
0x2e: {  	s3 =	simm.s32 @!p0 $0x1082;
	s9 =	sld [smem:$0x3FA6]  }
0x2f: {  	lr =	sadd.s32 s0, s3;
	s0 =	sld [smem:$0x3F9D]  }
0x30: {  	s3 =	sld [smem:$0x3FA0]  }
0x31: {  	[smem:$0x3FA9] =	sst s10  }
0x32: {  	s10 =	sld [smem:$0x3FA7];
	_ =	sdelay $0x3  }
0x33: {  	p0 =	seq.s32 s10, $0x1;
	s10 =	sld [smem:$0x3FA9];
	_ =	sdelay $0x3  }
0x34: {  	[smem:$0x3FA9] =	sst s10  }
0x35: {  	s10 =	sld [smem:$0x3FA8];
	_ =	sdelay $0x3  }
0x36: {  	p1 =	seq.s32 s10, $0x1;
	s10 =	sld [smem:$0x3FA9];
	_ =	sdelay $0x3  }
0x37: {  	[smem:$0x3FA9] =	sst s10  }
0x38: {  	s10 =	sld [smem:$0x3FAA]  }
0x39: {  	_ = 	snop;
	(pc) =	sbr.ind lr, $3  }
0x3a: {  	_ = 	snop  }
0x3b: {  	_ = 	snop  }
0x3c: {  	p2 =	seq.s32 s10, $0x1;
	s10 =	sld [smem:$0x3FA9]  }
0x3d: {  	_ =	shalt  }
0x3e: {  	_ =	shalt  }
0x3f: {  	_ =	shalt  }
0x40: {  	_ =	shalt  }
0x41: {  	_ =	shalt  }
0x42: {  	_ =	shalt  }
0x43: {  	_ =	shalt  }
0x44: {  	_ =	shalt  }
0x45: {  	_ =	shalt  }
0x46: {  	_ =	shalt  }
0x47: {  	_ =	shalt  }
0x48: {  	_ =	shalt  }
0x49: {  	_ =	shalt  }
0x4a: {  	_ =	shalt  }
0x4b: {  	_ =	shalt  }
0x4c: {  	_ =	shalt  }
0x4d: {  	_ =	shalt  }
0x4e: {  	_ =	shalt  }
0x4f: {  	_ =	shalt  }
0x50: {  	_ =	shalt  }
0x51: {  	_ =	shalt  }
0x52: {  	_ =	shalt  }
0x53: {  	_ =	shalt  }
0x54: {  	_ =	shalt  }
0x55: {  	_ =	shalt  }
0x56: {  	_ =	shalt  }
0x57: {  	_ =	shalt  }
0x58: {  	_ =	shalt  }
0x59: {  	_ =	shalt  }
0x5a: {  	_ =	shalt  }
0x5b: {  	_ =	shalt  }
0x5c: {  	_ =	shalt  }
0x5d: {  	_ =	shalt  }
0x5e: {  	_ =	shalt  }
0x5f: {  	_ =	shalt  }
0x60: {  	_ =	shalt  }
0x61: {  	_ =	shalt  }
0x62: {  	_ =	shalt  }
0x63: {  	_ =	shalt  }
0x64: {  	_ =	shalt  }
0x65: {  	_ =	shalt  }
0x66: {  	_ =	shalt  }
0x67: {  	_ =	shalt  }
0x68: {  	_ =	shalt  }
0x69: {  	_ =	shalt  }
0x6a: {  	_ =	shalt  }
0x6b: {  	_ =	shalt  }
0x6c: {  	_ =	shalt  }
0x6d: {  	_ =	shalt  }
0x6e: {  	_ =	shalt  }
0x6f: {  	_ =	shalt  }
0x70: {  	_ =	shalt  }
0x71: {  	_ =	shalt  }
0x72: {  	_ =	shalt  }
0x73: {  	_ =	shalt  }
0x74: {  	_ =	shalt  }
0x75: {  	_ =	shalt  }
0x76: {  	_ =	shalt  }
0x77: {  	_ =	shalt  }
0x78: {  	_ =	shalt  }
0x79: {  	_ =	shalt  }
0x7a: {  	_ =	shalt  }
0x7b: {  	_ =	shalt  }
0x7c: {  	_ =	shalt  }
0x7d: {  	_ =	shalt  }
0x7e: {  	_ =	shalt  }
0x7f: {  	_ =	shalt  }
0x80: {  	_ =	shalt  }
0x81: {  	_ =	shalt  }
0x82: {  	_ =	shalt  }
0x83: {  	_ =	shalt  }
0x84: {  	_ =	shalt  }
0x85: {  	_ =	shalt  }
0x86: {  	_ =	shalt  }
0x87: {  	_ =	shalt  }
.Lfunc_end0:
.L_simem_size_0:
called_computation.1_lowered:
.L_overlay_start_0:
0x88: {  	s2 =	sld [smem:$0x3FD9]  }
0x89: {  	s3 =	sld [smem:$0x3FFE];
	_ =	sdelay $0x1  }
0x8a: {  	s1 =	srdreg.scid  }
0x8b: {  	s0 =	sand.u32 $0x1, s1  }
0x8c: {  	s16 =	sshll.u32 s0, $0xA;
	s2 =	sadd.s32 s3, s2  }
0x8d: {  	s2 =	sadd.s32 s2, s16  }
0x8e: {  	[smem:$0x3FB5] =	sst s2  }
0x8f: {  	_ = 	snop  }
0x90: {  	(tm) =	ssettm $0x1  }
0x91: {  	s17 =	sld [smem:$0x3FFB];
	_ =	sdelay $0x3  }
0x92: {  	_ =	strace s17  }
0x93: {  	s2 =	sld [smem:$0x3FFC];
	_ =	sdelay $0x3  }
0x94: {  	_ =	strace s2  }
0x95: {  	s2 =	sld [smem:$0x3FFD];
	_ =	sdelay $0x3  }
0x96: {  	_ =	strace s2  }
0x97: {  	_ =	strace $0x8FFFFFFF  }
0x98: {  	s18 =	sld [smem:$0x3FDB];
	_ =	sdelay $0x1  }
0x99: {  	s19 =	simm.s32 $_scs_section_size  }
0x9a: {  	s4 =	simm.s32 $_size__tile_overlayer_lowered;
	s5 =	simm.s32 $_tile_overlayer_lowered  }
0x9b: {  	s22 =	simm.s32 $0x1BFF;
	s21 =	sshll.u32 s5, $0x1;
	s2 =	sadd.s32 s19, s18  }
0x9c: {  	s6 =	simm.s32 $0x0;
	s20 =	sshll.u32 s4, $0x1;
	s4 =	sadd.s32 s21, s2  }
0x9d: {  	[timem:s6], [sflag:s22] =	dma.local [hbm:s4], s20  }
0x9e: {  	_ =	swait.ge [sflag:s22], s20  }
0x9f: {  	s3 =	ssub.s32 $0x0, s20;
	[sflag:s22] =	ssyncset.done $0x0  }
0xa0: {  	[sflag:s22] =	ssyncadd.s32 s3;
	_ =	sdelay $0x1  }
0xa1: {  	s23 =	simm.s32 $0x1B8B  }
0xa2: {  	_ =	swait.ge [sflag:s23], $0x1  }
0xa3: {  	[sflag:s23] =	ssyncset.done $0x0  }
0xa4: {  	s25 =	simm.s32 $0x1B8E;
	s24 =	sld [smem:$0x3FFE];
	[sflag:s23] =	ssyncadd.s32 $0xFFFFFFFF  }
0xa5: {  	s26 =	simm.s32 $execute0_lowered;
	[smem:$0x3FD2] =	sst s25  }
0xa6: {  	s4 =	sshll.u32 s26, $0x1;
	_ =	strace $0x80000049;
	[dreg:$0x1] =	wrdreg $0xFFFFFFFF  }
0xa7: {  	s28 =	simm.s32 $_size_execute0_lowered;
	s2 =	sadd.s32 s2, s4;
	[dreg:$0x0] =	wrdreg $0x0  }
0xa8: {  	s4 =	sshll.u32 s28, $0x1;
	[dreg:$0x2] =	wrdreg s2  }
0xa9: {  	[dreg:$0x3] =	wrdreg s4  }
0xaa: {  	[dreg:$0x4] =	wrdreg $0xC0  }
0xab: {  	_ =	task [dreg:s6], $0x5FFFF  }
0xac: {  	[dreg:$0x1] =	wrdreg $0xFFFFFFFF  }
0xad: {  	[dreg:$0x0] =	wrdreg $0x60  }
0xae: {  	[dreg:$0x2] =	wrdreg s24  }
0xaf: {  	[dreg:$0x3] =	wrdreg $0x0  }
0xb0: {  	[dreg:$0x4] =	wrdreg $0x9  }
0xb1: {  	_ =	task.clear_ibuf [dreg:s6], $0x5FFFF;
	_ =	strace $0x90000049  }
0xb2: {  	s29 =	simm.s32 $0x9;
	_ =	strace $0x8000004B  }
0xb3: {  	_ =	swait.ge [sflag:s29], $0x1  }
0xb4: {  	[sflag:s29] =	ssyncadd.s32 $0xFFFFFFFF  }
0xb5: {  	_ =	strace $0x9000004B  }
0xb6: {  	_ =	sfence  }
0xb7: {  	s30 =	sld [smem:$0x0];
	_ =	sdelay $0x2  }
0xb8: {  	s31 =	sshll.u32 s1, $0xD;
	s1 =	sshrl.u32 s1, $0x2  }
0xb9: {  	s3 =	sand.u32 $0x4000, s31;
	s1 =	sadd.s32 s1, s30  }
0xba: {  	s0 =	sor.u32 s3, s0;
	s1 =	sshll.u32 s1, $0x11  }
0xbb: {  	s0 =	sor.u32 s1, s0  }
0xbc: {  	s0 =	sadd.s32 $0x8F2B, s0  }
0xbd: {  	[sflag:s0] =	ssyncadd.remote.s32 $0x1  }
0xbe: {  	_ =	sfence.sel $0xFFFF  }
0xbf: {  	[dreg:$0x0] =	wrdreg $0xFFFFFFFF;
	(pc) =	sbr.abs _section_cstart, $3  }
0xc0: {  	[dreg:$0x1] =	wrdreg $0xFFFFFFFF  }
0xc1: {  	_ =	task.clear_ibuf [dreg:s6], $0x2FFFF;
	_ =	strace $0x9FFFFFFF  }
0xc2: {  	(tm) =	ssettm $0x7FFFFFFF  }
0xc3: {  	_ =	shalt  }
tec
execute0_lowered:
.L_overlay_start_1:
0x0: {  	(tag) =	ssettag $0x1  }
0x1: {  	s0 =	rddreg [dreg:$0x0]  }
0x2: {  	s2 =	rddreg [dreg:$0x1]  }
0x3: {  	s3 =	simm.s32 $0x0;
	s1 =	srdreg.scid;
	s11 =	stileid.u32  }
0x4: {  	s13 =	simm.s32 $0x5000;
	s14 =	simm.s32 $0x5;
	s15 =	simm.s32 $0xA000  }
0x5: {  	s17 =	simm.s32 $0xEE00;
	s18 =	simm.s32 $0xEE10;
	s19 =	simm.s32 $0x80  }
0x6: {  	s20 =	simm.s32 $0xEE20;
	s21 =	simm.s32 $0x1;
	s22 =	simm.s32 $0xFE20  }
0x7: {  	s23 =	simm.s32 $0x3;
	s24 =	simm.s32 $0x2;
	s25 =	simm.s32 $0x4  }
0x8: {  	s28 =	simm.s32 $0xC680;
	s29 =	simm.s32 $0xED80;
	s30 =	simm.s32 $0x10  }
0x9: {  	s31 =	simm.s32 $0x10E20;
	[smem:$0x7FF] =	sst s3;
	s1 =	sand.u32 $0x1, s1  }
0xa: {  	s6 =	smul.u32 $0xA000, s11;
	s4 =	sadd.s32 $0x16400, s0;
	s9 =	sadd.s32 $0xC600, s0  }
0xb: {  	s10 =	sadd.s32 $0x2800, s0;
	s5 =	sadd.s32 $0x44400, s0;
	s7 =	smul.u32 $0xA0000, s1  }
0xc: {  	_ =	strace $0x8000004A;
	s8 =	sshll.u32 s1, $0x4;
	s1 =	ssub.s32 $0x2, s1  }
0xd: {  	s8 =	sor.u32 s11, s8;
	s26 =	sshrl.u32 s1, $0x1;
	s7 =	sadd.s32 s6, s7  }
0xe: {  	s11 =	smul.u32 $0x4E0, s8;
	s1 =	ssub.s32 s1, s26;
	s6 =	sshrl.u32 s6, $0x1  }
0xf: {  	s8 =	sshll.u32 s8, $0x1;
	s7 =	sshrl.u32 s7, $0x4;
	s6 =	sadd.s32 s6, s2  }
0x10: {  	s12 =	sor.u32 $0x9C00, s8;
	s0 =	sadd.s32 s7, s0;
	s7 =	sadd.s32 s9, s11  }
0x11: {  	s8 =	sadd.s32 s10, s11;
	s9 =	sadd.s32 s9, s12;
	s10 =	sadd.s32 s10, s12  }
0x12: {  	s12 =	smax.u32 s1, $0x1;
	s11 =	sadd.s32 $0x20400, s0;
	s0 =	simm.s32 $0x0  }
.LBB2_1:
0x13: {  	[tilespmem:s13], [sflag:$0x5] =	stream.linear.gather [hbm4b:s5+s3], $0x5000, $0x38;
	[tilespmem:$0x11020] =	vst v63  }
0x14: {  	_ =	swait.ge [sflag:s14], $0x5000  }
0x15: {  	[sflag:s14] =	ssyncset.done $0x0  }
0x16: {  	[sflag:s14] =	ssyncadd.s32 $0xFFFFB000  }
0x17: {  	[spmem:s6] =	stream.linear.scatter [tilespmem:s13], [sflag:$0x5], $0x5000, $0x38;
	[tilespmem:$0x11020] =	vst v63  }
0x18: {  	_ =	swait.ge [sflag:s14], $0x5000  }
0x19: {  	[sflag:s14] =	ssyncset.done $0x0  }
0x1a: {  	[sflag:s14] =	ssyncadd.s32 $0xFFFFB000  }
0x1b: {  	[tilespmem:s15], [sflag:$0x5] =	stream.linear.gather [hbm4b:s7+s3], $0x2700, $0x38;
	[tilespmem:$0x11020] =	vst v63  }
0x1c: {  	_ =	swait.ge [sflag:s14], $0x2700  }
0x1d: {  	[sflag:s14] =	ssyncset.done $0x0  }
0x1e: {  	s1 =	simm.s32 $0xC700;
	[sflag:s14] =	ssyncadd.s32 $0xFFFFD900  }
0x1f: {  	[tilespmem:s1], [sflag:$0x5] =	stream.linear.gather [hbm4b:s8+s3], $0x2700, $0x38;
	[tilespmem:$0x11020] =	vst v63  }
0x20: {  	_ =	swait.ge [sflag:s14], $0x2700  }
0x21: {  	[sflag:s14] =	ssyncset.done $0x0  }
0x22: {  	[sflag:s14] =	ssyncadd.s32 $0xFFFFD900  }
0x23: {  	[tilespmem:s17], [sflag:$0x5] =	stream.linear.gather [hbm4b:s9+s3], $0x10, $0x38;
	[tilespmem:$0x11020] =	vst v63  }
0x24: {  	_ =	swait.ge [sflag:s14], $0x10  }
0x25: {  	[sflag:s14] =	ssyncset.done $0x0  }
0x26: {  	[sflag:s14] =	ssyncadd.s32 $0xFFFFFFF0  }
0x27: {  	[tilespmem:s18], [sflag:$0x5] =	stream.linear.gather [hbm4b:s10+s3], $0x10, $0x38;
	[tilespmem:$0x11020] =	vst v63  }
0x28: {  	_ =	swait.ge [sflag:s14], $0x10  }
0x29: {  	[sflag:s14] =	ssyncset.done $0x0  }
0x2a: {  	[sflag:s14] =	ssyncadd.s32 $0xFFFFFFF0  }
0x2b: {  	[bflag:$0x0] =	sbarrier.arrive $0xFFFF  }
0x2c: {  	[tilespmem:s20], [sflag:$0x1] =	stream.indirect.gather [hbm4b:s4+s19], $0x20, s15, s19, $0xb8;
	[tilespmem:$0x11020] =	vst v63  }
0x2d: {  	_ =	swait.ge [sflag:s21], $0x1000  }
0x2e: {  	[sflag:s21] =	ssyncset.done $0x0  }
0x2f: {  	s16 =	simm.s32 $0xC700;
	[sflag:s21] =	ssyncadd.s32 $0xFFFFF000  }
0x30: {  	[spmem:s2] =	stream.indirect.scatter.add.bf16 [tilespmem:s20], [sflag:$0x3], $0x20, s16, s19, $0xb8;
	[tilespmem:$0x11020] =	vst v63  }
0x31: {  	s26 =	simm.s32 $0xA080  }
0x32: {  	[tilespmem:s22], [sflag:$0x2] =	stream.indirect.gather [hbm4b:s4+s19], $0x20, s26, s19, $0xb8;
	[tilespmem:$0x11020] =	vst v63  }
0x33: {  	_ =	swait.ge [sflag:s23], $0x1000  }
0x34: {  	[sflag:s23] =	ssyncset.done $0x0  }
0x35: {  	[sflag:s23] =	ssyncadd.s32 $0xFFFFF000  }
0x36: {  	_ =	swait.ge [sflag:s24], $0x1000  }
0x37: {  	[sflag:s24] =	ssyncset.done $0x0  }
0x38: {  	s16 =	simm.s32 $0xC780;
	[sflag:s24] =	ssyncadd.s32 $0xFFFFF000  }
0x39: {  	[spmem:s2] =	stream.indirect.scatter.add.bf16 [tilespmem:s22], [sflag:$0x4], $0x20, s16, s19, $0xb8;
	[tilespmem:$0x11020] =	vst v63  }
0x3a: {  	s26 =	simm.s32 $0xA100  }
0x3b: {  	[tilespmem:s20], [sflag:$0x1] =	stream.indirect.gather [hbm4b:s4+s19], $0x20, s26, s19, $0xb8;
	[tilespmem:$0x11020] =	vst v63  }
0x3c: {  	_ =	swait.ge [sflag:s25], $0x1000  }
0x3d: {  	s1 =	simm.s32 $0x400;
	[sflag:s25] =	ssyncset.done $0x0  }
.LBB2_2:
0x3e: {  	p0 =	sne.s32 s1, $0x9400  }
0x3f: {  	[sflag:s25] =	ssyncadd.s32 $0xFFFFF000;
	s16 =	smov.u32 s1;
	s1 =	sadd.s32 $0x400, s1  }
0x40: {  	_ = 	snop  }
0x41: {  	_ =	swait.ge [sflag:s21], $0x1000  }
0x42: {  	s16 =	sshra.s32 s16, $0x2;
	[sflag:s21] =	ssyncset.done $0x0  }
0x43: {  	s26 =	sadd.s32 $0xC700, s16;
	[sflag:s21] =	ssyncadd.s32 $0xFFFFF000  }
0x44: {  	[spmem:s2] =	stream.indirect.scatter.add.bf16 [tilespmem:s20], [sflag:$0x3], $0x20, s26, s19, $0xb8;
	[tilespmem:$0x11020] =	vst v63  }
0x45: {  	s26 =	sadd.s32 $0xA080, s16  }
0x46: {  	[tilespmem:s22], [sflag:$0x2] =	stream.indirect.gather [hbm4b:s4+s19], $0x20, s26, s19, $0xb8;
	[tilespmem:$0x11020] =	vst v63  }
0x47: {  	_ =	swait.ge [sflag:s23], $0x1000  }
0x48: {  	[sflag:s23] =	ssyncset.done $0x0  }
0x49: {  	[sflag:s23] =	ssyncadd.s32 $0xFFFFF000  }
0x4a: {  	_ =	swait.ge [sflag:s24], $0x1000  }
0x4b: {  	[sflag:s24] =	ssyncset.done $0x0  }
0x4c: {  	s26 =	sadd.s32 $0xC780, s16;
	[sflag:s24] =	ssyncadd.s32 $0xFFFFF000  }
0x4d: {  	[spmem:s2] =	stream.indirect.scatter.add.bf16 [tilespmem:s22], [sflag:$0x4], $0x20, s26, s19, $0xb8;
	[tilespmem:$0x11020] =	vst v63  }
.Ltmp0:
0x4e: {  	_ = 	snop;
	(pc) =	sbr.rel @p0 .LBB2_2-.Ltmp0, $4  }
0x4f: {  	s16 =	sadd.s32 $0xA100, s16  }
0x50: {  	[tilespmem:s20], [sflag:$0x1] =	stream.indirect.gather [hbm4b:s4+s19], $0x20, s16, s19, $0xb8;
	[tilespmem:$0x11020] =	vst v63  }
0x51: {  	_ =	swait.ge [sflag:s25], $0x1000  }
0x52: {  	[sflag:s25] =	ssyncset.done $0x0  }
0x53: {  	[sflag:s25] =	ssyncadd.s32 $0xFFFFF000  }
0x54: {  	_ =	swait.ge [sflag:s21], $0x1000  }
0x55: {  	[sflag:s21] =	ssyncset.done $0x0  }
0x56: {  	s1 =	simm.s32 $0xED00;
	[sflag:s21] =	ssyncadd.s32 $0xFFFFF000  }
0x57: {  	[spmem:s2] =	stream.indirect.scatter.add.bf16 [tilespmem:s20], [sflag:$0x3], $0x20, s1, s19, $0xb8;
	[tilespmem:$0x11020] =	vst v63  }
0x58: {  	_ = 	snop  }
0x59: {  	[tilespmem:s22], [sflag:$0x2] =	stream.indirect.gather [hbm4b:s4+s19], $0x20, s28, s19, $0xb8;
	[tilespmem:$0x11020] =	vst v63  }
0x5a: {  	_ =	swait.ge [sflag:s23], $0x1000  }
0x5b: {  	[sflag:s23] =	ssyncset.done $0x0  }
0x5c: {  	[sflag:s23] =	ssyncadd.s32 $0xFFFFF000  }
0x5d: {  	_ =	swait.ge [sflag:s24], $0x1000  }
0x5e: {  	[sflag:s24] =	ssyncset.done $0x0  }
0x5f: {  	[sflag:s24] =	ssyncadd.s32 $0xFFFFF000  }
0x60: {  	[spmem:s2] =	stream.indirect.scatter.add.bf16 [tilespmem:s22], [sflag:$0x4], $0x20, s29, s19, $0xb8;
	[tilespmem:$0x11020] =	vst v63  }
0x61: {  	_ =	swait.ge [sflag:s25], $0x1000  }
0x62: {  	[sflag:s25] =	ssyncset.done $0x0  }
0x63: {  	[sflag:s25] =	ssyncadd.s32 $0xFFFFF000  }
0x64: {  	[tilespmem:s31], [sflag:$0x5] =	stream.indirect.gather [hbm4b:s4+s30], $0x20, s17, s30, $0xb8;
	[tilespmem:$0x11020] =	vst v63  }
0x65: {  	_ =	swait.ge [sflag:s14], $0x200  }
0x66: {  	[sflag:s14] =	ssyncset.done $0x0  }
0x67: {  	[sflag:s14] =	ssyncadd.s32 $0xFFFFFE00  }
0x68: {  	[spmem:s2] =	stream.indirect.scatter.add.bf16 [tilespmem:s31], [sflag:$0x5], $0x20, s18, s30, $0xb8;
	[tilespmem:$0x11020] =	vst v63  }
0x69: {  	_ =	swait.ge [sflag:s14], $0x200  }
0x6a: {  	[sflag:s14] =	ssyncset.done $0x0  }
0x6b: {  	[sflag:s14] =	ssyncadd.s32 $0xFFFFFE00  }
0x6c: {  	[bflag:$0x0] =	sbarrier.arrive $0xFFFF  }
0x6d: {  	[tilespmem:s13], [sflag:$0x5] =	stream.linear.gather [spmem:s6], $0x5000, $0x38;
	[tilespmem:$0x11020] =	vst v63  }
0x6e: {  	s0 =	sadd.s32 $0x1, s0;
	_ =	swait.ge [sflag:s14], $0x5000  }
0x6f: {  	p0 =	sne.s32 s0, s12;
	[sflag:s14] =	ssyncset.done $0x0  }
.Ltmp1:
0x70: {  	[sflag:s14] =	ssyncadd.s32 $0xFFFFB000;
	(pc) =	sbr.rel @p0 .LBB2_1-.Ltmp1, $4  }
0x71: {  	[hbm4b:s11+s3] =	stream.linear.scatter [tilespmem:s13], [sflag:$0x5], $0x5000, $0x38;
	[tilespmem:$0x11020] =	vst v63  }
0x72: {  	_ =	swait.ge [sflag:s14], $0x5000  }
0x73: {  	[sflag:s14] =	ssyncset.done $0x0  }
0x74: {  	[sflag:s14] =	ssyncadd.s32 $0xFFFFB000  }
0x75: {  	_ =	sfence.sel $0x180000  }
0x76: {  	[bflag:$0x0] =	sbarrier.arrive $0xFFFF  }
0x77: {  	_ =	strace $0x9000004A  }
0x78: {  	s0 =	stileid.u32;
	[bflag:$0x2] =	sbarrier.arrive $0xFFFF  }
0x79: {  	p0 =	sne.s32 s0, $0x0;
	s0 =	rddreg [dreg:$0x2]  }
0x7a: {  	s0 =	sadd.s32 @!p0 $0x100000, s0  }
0x7b: {  	[sflag:s0] =	ssyncadd.tile.s32 @!p0 $0x1;
	_ =	shalt  }
.Lfunc_end2:
_tile_overlayer_lowered:
.L_overlay_start_2:
0x7c: {  	(tag) =	ssettag $0x2  }
0x7d: {  	s0 =	rddreg [dreg:$0x0];
	s2 =	stileid.u32  }
0x7e: {  	s1 =	rddreg [dreg:$0x1];
	p0 =	sne.s32 s2, $0x0  }
0x7f: {  	s3 =	rddreg [dreg:$0x2];
	[bflag:$0x3] =	sbarrier.arrive $0xFFFF;
	s2 =	simm.s32 @!p0 $0x1C05  }
0x80: {  	[timem:s3], [sflag:s2] =	dma.local @!p0 [hbm:s0], s1  }
0x81: {  	s0 =	simm.s32 @!p0 $0x5  }
0x82: {  	_ =	swait.ge @!p0 [sflag:s0], s1  }
0x83: {  	s1 =	ssub.s32 @!p0 $0x0, s1;
	[sflag:s0] =	ssyncset.done @!p0 $0x0  }
0x84: {  	[sflag:s0] =	ssyncadd.s32 @!p0 s1  }
0x85: {  	[bflag:$0x3] =	sbarrier.arrive $0xFFFF  }
0x86: {  	_ =	shalt  }

// kernel: kernel.7.cloned.1.call-start
scs
__scs_entry_jumppad:
0x0: {  	(pc) =	sbr.rel $0x88, $3  }
0x1: {  	(tag) =	ssettag $0x0;
	lr =	simm.s32 $0x1  }
0x2: {  	[smem:$0x3F8E] =	sst lr;
	_ =	strace $0xD0000000  }
0x3: {  	_ = 	snop  }
0x4: {  	_ = 	snop  }
0x5: {  	_ = 	snop  }
0x6: {  	_ = 	snop  }
0x7: {  	_ = 	snop  }
__scs_overlays_trampoline_lowered:
0x8: {  	[smem:$0x3F9D] =	sst s0  }
0x9: {  	[smem:$0x3F9E] =	sst s1  }
0xa: {  	[smem:$0x3F9F] =	sst s2  }
0xb: {  	[smem:$0x3FA0] =	sst s3  }
0xc: {  	[smem:$0x3FA1] =	sst s4  }
0xd: {  	[smem:$0x3FA2] =	sst s5  }
0xe: {  	[smem:$0x3FA3] =	sst s6  }
0xf: {  	[smem:$0x3FA4] =	sst s7  }
0x10: {  	[smem:$0x3FA5] =	sst s8  }
0x11: {  	[smem:$0x3FA6] =	sst s9;
	s0 =	simm.s32 @!p0 $0x0  }
0x12: {  	s1 =	sld [smem:$0x3F8C];
	s0 =	simm.s32 @p0 $0x1  }
0x13: {  	[smem:$0x3FA7] =	sst s0;
	s0 =	simm.s32 @!p1 $0x0  }
0x14: {  	s2 =	sld [smem:$0x3F8B];
	s0 =	simm.s32 @p1 $0x1  }
0x15: {  	[smem:$0x3FA8] =	sst s0;
	s0 =	simm.s32 @!p2 $0x0  }
0x16: {  	s3 =	sld [smem:$0x3FDB];
	s0 =	simm.s32 @p2 $0x1  }
0x17: {  	s4 =	simm.s32 $0x1BF5;
	[smem:$0x3FAA] =	sst s0  }
0x18: {  	s0 =	sld [smem:$0x3F8D];
	_ =	swait.ge [sflag:s4], $0x0  }
0x19: {  	s7 =	sld [smem:$0x3F8E]  }
0x1a: {  	s8 =	sadd.s32 $0xFFFFE003, lr  }
0x1b: {  	s9 =	sadd.s32 $0xFFFFFEF7, lr;
	s5 =	simm.s32 $0xFFFFFFFF;
	p2 =	slt.u32 s8, $0xFFFFF086  }
0x1c: {  	p1 =	slt.u32 s9, $0xF7A;
	s5 =	simm.s32 @!p2 $0x0  }
0x1d: {  	s5 =	simm.s32 @p1 $0x1;
	p0 =	seq.s32 s7, s2  }
0x1e: {  	s7 =	smul.u32 @!p0 $0xF7A, s2;
	p2 =	seq.s32 @!p0 s5, $0x0  }
0x1f: {  	s9 =	smul.u32 $0xF7A, s1;
	s8 =	simm.s32 @!p0 $0x1BF5;
	p2 =	por !p2, p0  }
0x20: {  	[sflag:s8] =	ssyncset.s32 @!p0 $0xFFFFF086;
	s6 =	sadd.s32 @!p0 s3, s7;
	s7 =	simm.s32 @!p0 $0x108  }
0x21: {  	s3 =	sadd.s32 s3, s9;
	s6 =	sadd.s32 @!p0 $0x88, s6;
	s7 =	simm.s32 @p2 $0x1082  }
0x22: {  	[simem:s7], [sflag:s8] =	dma.local @!p0 [hbm:s6], $0xF7A  }
0x23: {  	s9 =	sor.u32 $0xD0000000, s2;
	s6 =	simm.s32 $0x108;
	_ =	swait.ge @!p0 [sflag:s8], $0x0  }
0x24: {  	s3 =	sadd.s32 $0x88, s3;
	s6 =	simm.s32 @!p1 $0x1082;
	[sflag:s4] =	ssyncset.s32 $0xFFFFF086  }
0x25: {  	[simem:s6], [sflag:s4] =	dma.local [hbm:s3], $0xF7A  }
0x26: {  	[smem:$0x3F8E] =	sst s1;
	(tag) =	ssettag s2;
	_ =	strace s9  }
0x27: {  	s1 =	sld [smem:$0x3F9E]  }
0x28: {  	s2 =	sld [smem:$0x3F9F]  }
0x29: {  	s4 =	sld [smem:$0x3FA1]  }
0x2a: {  	p0 =	seq.s32 s5, $0x0;
	s5 =	sld [smem:$0x3FA2]  }
0x2b: {  	s6 =	sld [smem:$0x3FA3]  }
0x2c: {  	s7 =	sld [smem:$0x3FA4]  }
0x2d: {  	s3 =	simm.s32 $0x108;
	s8 =	sld [smem:$0x3FA5]  }
0x2e: {  	s3 =	simm.s32 @!p0 $0x1082;
	s9 =	sld [smem:$0x3FA6]  }
0x2f: {  	lr =	sadd.s32 s0, s3;
	s0 =	sld [smem:$0x3F9D]  }
0x30: {  	s3 =	sld [smem:$0x3FA0]  }
0x31: {  	[smem:$0x3FA9] =	sst s10  }
0x32: {  	s10 =	sld [smem:$0x3FA7];
	_ =	sdelay $0x3  }
0x33: {  	p0 =	seq.s32 s10, $0x1;
	s10 =	sld [smem:$0x3FA9];
	_ =	sdelay $0x3  }
0x34: {  	[smem:$0x3FA9] =	sst s10  }
0x35: {  	s10 =	sld [smem:$0x3FA8];
	_ =	sdelay $0x3  }
0x36: {  	p1 =	seq.s32 s10, $0x1;
	s10 =	sld [smem:$0x3FA9];
	_ =	sdelay $0x3  }
0x37: {  	[smem:$0x3FA9] =	sst s10  }
0x38: {  	s10 =	sld [smem:$0x3FAA]  }
0x39: {  	_ = 	snop;
	(pc) =	sbr.ind lr, $3  }
0x3a: {  	_ = 	snop  }
0x3b: {  	_ = 	snop  }
0x3c: {  	p2 =	seq.s32 s10, $0x1;
	s10 =	sld [smem:$0x3FA9]  }
0x3d: {  	_ =	shalt  }
0x3e: {  	_ =	shalt  }
0x3f: {  	_ =	shalt  }
0x40: {  	_ =	shalt  }
0x41: {  	_ =	shalt  }
0x42: {  	_ =	shalt  }
0x43: {  	_ =	shalt  }
0x44: {  	_ =	shalt  }
0x45: {  	_ =	shalt  }
0x46: {  	_ =	shalt  }
0x47: {  	_ =	shalt  }
0x48: {  	_ =	shalt  }
0x49: {  	_ =	shalt  }
0x4a: {  	_ =	shalt  }
0x4b: {  	_ =	shalt  }
0x4c: {  	_ =	shalt  }
0x4d: {  	_ =	shalt  }
0x4e: {  	_ =	shalt  }
0x4f: {  	_ =	shalt  }
0x50: {  	_ =	shalt  }
0x51: {  	_ =	shalt  }
0x52: {  	_ =	shalt  }
0x53: {  	_ =	shalt  }
0x54: {  	_ =	shalt  }
0x55: {  	_ =	shalt  }
0x56: {  	_ =	shalt  }
0x57: {  	_ =	shalt  }
0x58: {  	_ =	shalt  }
0x59: {  	_ =	shalt  }
0x5a: {  	_ =	shalt  }
0x5b: {  	_ =	shalt  }
0x5c: {  	_ =	shalt  }
0x5d: {  	_ =	shalt  }
0x5e: {  	_ =	shalt  }
0x5f: {  	_ =	shalt  }
0x60: {  	_ =	shalt  }
0x61: {  	_ =	shalt  }
0x62: {  	_ =	shalt  }
0x63: {  	_ =	shalt  }
0x64: {  	_ =	shalt  }
0x65: {  	_ =	shalt  }
0x66: {  	_ =	shalt  }
0x67: {  	_ =	shalt  }
0x68: {  	_ =	shalt  }
0x69: {  	_ =	shalt  }
0x6a: {  	_ =	shalt  }
0x6b: {  	_ =	shalt  }
0x6c: {  	_ =	shalt  }
0x6d: {  	_ =	shalt  }
0x6e: {  	_ =	shalt  }
0x6f: {  	_ =	shalt  }
0x70: {  	_ =	shalt  }
0x71: {  	_ =	shalt  }
0x72: {  	_ =	shalt  }
0x73: {  	_ =	shalt  }
0x74: {  	_ =	shalt  }
0x75: {  	_ =	shalt  }
0x76: {  	_ =	shalt  }
0x77: {  	_ =	shalt  }
0x78: {  	_ =	shalt  }
0x79: {  	_ =	shalt  }
0x7a: {  	_ =	shalt  }
0x7b: {  	_ =	shalt  }
0x7c: {  	_ =	shalt  }
0x7d: {  	_ =	shalt  }
0x7e: {  	_ =	shalt  }
0x7f: {  	_ =	shalt  }
0x80: {  	_ =	shalt  }
0x81: {  	_ =	shalt  }
0x82: {  	_ =	shalt  }
0x83: {  	_ =	shalt  }
0x84: {  	_ =	shalt  }
0x85: {  	_ =	shalt  }
0x86: {  	_ =	shalt  }
0x87: {  	_ =	shalt  }
.Lfunc_end0:
.L_simem_size_0:
called_computation_lowered:
.L_overlay_start_0:
0x88: {  	s2 =	sld [smem:$0x3FD9]  }
0x89: {  	s3 =	sld [smem:$0x3FFE];
	_ =	sdelay $0x1  }
0x8a: {  	s1 =	srdreg.scid  }
0x8b: {  	s0 =	sand.u32 $0x1, s1  }
0x8c: {  	s16 =	sshll.u32 s0, $0xA;
	s2 =	sadd.s32 s3, s2  }
0x8d: {  	s2 =	sadd.s32 s2, s16  }
0x8e: {  	[smem:$0x3FB5] =	sst s2  }
0x8f: {  	_ = 	snop  }
0x90: {  	(tm) =	ssettm $0x1  }
0x91: {  	s17 =	sld [smem:$0x3FFB];
	_ =	sdelay $0x3  }
0x92: {  	_ =	strace s17  }
0x93: {  	s2 =	sld [smem:$0x3FFC];
	_ =	sdelay $0x3  }
0x94: {  	_ =	strace s2  }
0x95: {  	s2 =	sld [smem:$0x3FFD];
	_ =	sdelay $0x3  }
0x96: {  	_ =	strace s2  }
0x97: {  	_ =	strace $0x8FFFFFFF  }
0x98: {  	s18 =	sld [smem:$0x3FDB];
	_ =	sdelay $0x1  }
0x99: {  	s19 =	simm.s32 $_scs_section_size  }
0x9a: {  	s4 =	simm.s32 $_size__tile_overlayer_lowered;
	s5 =	simm.s32 $_tile_overlayer_lowered  }
0x9b: {  	s22 =	simm.s32 $0x1BFF;
	s21 =	sshll.u32 s5, $0x1;
	s2 =	sadd.s32 s19, s18  }
0x9c: {  	s6 =	simm.s32 $0x0;
	s20 =	sshll.u32 s4, $0x1;
	s4 =	sadd.s32 s21, s2  }
0x9d: {  	[timem:s6], [sflag:s22] =	dma.local [hbm:s4], s20  }
0x9e: {  	_ =	swait.ge [sflag:s22], s20  }
0x9f: {  	s3 =	ssub.s32 $0x0, s20;
	[sflag:s22] =	ssyncset.done $0x0  }
0xa0: {  	[sflag:s22] =	ssyncadd.s32 s3;
	_ =	sdelay $0x1  }
0xa1: {  	s23 =	simm.s32 $0x1B8B  }
0xa2: {  	_ =	swait.ge [sflag:s23], $0x1  }
0xa3: {  	[sflag:s23] =	ssyncset.done $0x0  }
0xa4: {  	s25 =	simm.s32 $0x1B8E;
	s24 =	sld [smem:$0x3FFE];
	[sflag:s23] =	ssyncadd.s32 $0xFFFFFFFF  }
0xa5: {  	s26 =	simm.s32 $execute0_lowered;
	[smem:$0x3FD2] =	sst s25  }
0xa6: {  	s4 =	sshll.u32 s26, $0x1;
	_ =	strace $0x80000046;
	[dreg:$0x1] =	wrdreg $0xFFFFFFFF  }
0xa7: {  	s28 =	simm.s32 $_size_execute0_lowered;
	s2 =	sadd.s32 s2, s4;
	[dreg:$0x0] =	wrdreg $0x0  }
0xa8: {  	s4 =	sshll.u32 s28, $0x1;
	[dreg:$0x2] =	wrdreg s2  }
0xa9: {  	[dreg:$0x3] =	wrdreg s4  }
0xaa: {  	[dreg:$0x4] =	wrdreg $0xC0  }
0xab: {  	_ =	task [dreg:s6], $0x5FFFF  }
0xac: {  	[dreg:$0x1] =	wrdreg $0xFFFFFFFF  }
0xad: {  	[dreg:$0x0] =	wrdreg $0x60  }
0xae: {  	[dreg:$0x2] =	wrdreg s24  }
0xaf: {  	[dreg:$0x3] =	wrdreg $0x0  }
0xb0: {  	[dreg:$0x4] =	wrdreg $0x9  }
0xb1: {  	_ =	task.clear_ibuf [dreg:s6], $0x5FFFF;
	_ =	strace $0x90000046  }
0xb2: {  	s29 =	simm.s32 $0x9;
	_ =	strace $0x80000048  }
0xb3: {  	_ =	swait.ge [sflag:s29], $0x1  }
0xb4: {  	[sflag:s29] =	ssyncadd.s32 $0xFFFFFFFF  }
0xb5: {  	_ =	strace $0x90000048  }
0xb6: {  	_ =	sfence  }
0xb7: {  	s30 =	sld [smem:$0x0];
	_ =	sdelay $0x2  }
0xb8: {  	s31 =	sshll.u32 s1, $0xD;
	s1 =	sshrl.u32 s1, $0x2  }
0xb9: {  	s3 =	sand.u32 $0x4000, s31;
	s1 =	sadd.s32 s1, s30  }
0xba: {  	s0 =	sor.u32 s3, s0;
	s1 =	sshll.u32 s1, $0x11  }
0xbb: {  	s0 =	sor.u32 s1, s0  }
0xbc: {  	s0 =	sadd.s32 $0x8F2B, s0  }
0xbd: {  	[sflag:s0] =	ssyncadd.remote.s32 $0x1  }
0xbe: {  	_ =	sfence.sel $0xFFFF  }
0xbf: {  	[dreg:$0x0] =	wrdreg $0xFFFFFFFF;
	(pc) =	sbr.abs _section_cstart, $3  }
0xc0: {  	[dreg:$0x1] =	wrdreg $0xFFFFFFFF  }
0xc1: {  	_ =	task.clear_ibuf [dreg:s6], $0x2FFFF;
	_ =	strace $0x9FFFFFFF  }
0xc2: {  	(tm) =	ssettm $0x7FFFFFFF  }
0xc3: {  	_ =	shalt  }
tec
execute0_lowered:
.L_overlay_start_1:
0x0: {  	(tag) =	ssettag $0x1  }
0x1: {  	s0 =	rddreg [dreg:$0x0]  }
0x2: {  	s2 =	rddreg [dreg:$0x1]  }
0x3: {  	s3 =	simm.s32 $0x0;
	s1 =	srdreg.scid;
	s11 =	stileid.u32  }
0x4: {  	s13 =	simm.s32 $0x7800;
	s14 =	simm.s32 $0x5;
	s15 =	simm.s32 $0xF000  }
0x5: {  	s17 =	simm.s32 $0x13E00;
	s18 =	simm.s32 $0x13E10;
	s19 =	simm.s32 $0x80  }
0x6: {  	s20 =	simm.s32 $0x13E20;
	s21 =	simm.s32 $0x1;
	s22 =	simm.s32 $0x15620  }
0x7: {  	s23 =	simm.s32 $0x3;
	s24 =	simm.s32 $0x2;
	s25 =	simm.s32 $0x4  }
0x8: {  	s28 =	simm.s32 $0x11680;
	s29 =	simm.s32 $0x13D80;
	s30 =	simm.s32 $0x10  }
0x9: {  	s31 =	simm.s32 $0x16E20;
	[smem:$0x7FF] =	sst s3;
	s1 =	sand.u32 $0x1, s1  }
0xa: {  	s6 =	smul.u32 $0xF000, s11;
	s4 =	sadd.s32 $0x16400, s0;
	s9 =	sadd.s32 $0xC600, s0  }
0xb: {  	s10 =	sadd.s32 $0x2800, s0;
	s5 =	sadd.s32 $0x25400, s0;
	s7 =	smul.u32 $0xF0000, s1  }
0xc: {  	_ =	strace $0x80000047;
	s8 =	sshll.u32 s1, $0x4;
	s1 =	ssub.s32 $0x2, s1  }
0xd: {  	s8 =	sor.u32 s11, s8;
	s26 =	sshrl.u32 s1, $0x1;
	s7 =	sadd.s32 s6, s7  }
0xe: {  	s11 =	smul.u32 $0x4E0, s8;
	s1 =	ssub.s32 s1, s26;
	s6 =	sshrl.u32 s6, $0x1  }
0xf: {  	s8 =	sshll.u32 s8, $0x1;
	s7 =	sshrl.u32 s7, $0x4;
	s6 =	sadd.s32 s6, s2  }
0x10: {  	s12 =	sor.u32 $0x9C00, s8;
	s0 =	sadd.s32 s7, s0;
	s7 =	sadd.s32 s9, s11  }
0x11: {  	s8 =	sadd.s32 s10, s11;
	s9 =	sadd.s32 s9, s12;
	s10 =	sadd.s32 s10, s12  }
0x12: {  	s12 =	smax.u32 s1, $0x1;
	s11 =	sadd.s32 $0x26400, s0;
	s0 =	simm.s32 $0x0  }
.LBB2_1:
0x13: {  	[tilespmem:s13], [sflag:$0x5] =	stream.linear.gather [hbm4b:s5+s3], $0x7800, $0x38;
	[tilespmem:$0x17120] =	vst v63  }
0x14: {  	_ =	swait.ge [sflag:s14], $0x7800  }
0x15: {  	[sflag:s14] =	ssyncset.done $0x0  }
0x16: {  	[sflag:s14] =	ssyncadd.s32 $0xFFFF8800  }
0x17: {  	[spmem:s6] =	stream.linear.scatter [tilespmem:s13], [sflag:$0x5], $0x7800, $0x38;
	[tilespmem:$0x17120] =	vst v63  }
0x18: {  	_ =	swait.ge [sflag:s14], $0x7800  }
0x19: {  	[sflag:s14] =	ssyncset.done $0x0  }
0x1a: {  	[sflag:s14] =	ssyncadd.s32 $0xFFFF8800  }
0x1b: {  	[tilespmem:s15], [sflag:$0x5] =	stream.linear.gather [hbm4b:s7+s3], $0x2700, $0x38;
	[tilespmem:$0x17120] =	vst v63  }
0x1c: {  	_ =	swait.ge [sflag:s14], $0x2700  }
0x1d: {  	[sflag:s14] =	ssyncset.done $0x0  }
0x1e: {  	s1 =	simm.s32 $0x11700;
	[sflag:s14] =	ssyncadd.s32 $0xFFFFD900  }
0x1f: {  	[tilespmem:s1], [sflag:$0x5] =	stream.linear.gather [hbm4b:s8+s3], $0x2700, $0x38;
	[tilespmem:$0x17120] =	vst v63  }
0x20: {  	_ =	swait.ge [sflag:s14], $0x2700  }
0x21: {  	[sflag:s14] =	ssyncset.done $0x0  }
0x22: {  	[sflag:s14] =	ssyncadd.s32 $0xFFFFD900  }
0x23: {  	[tilespmem:s17], [sflag:$0x5] =	stream.linear.gather [hbm4b:s9+s3], $0x10, $0x38;
	[tilespmem:$0x17120] =	vst v63  }
0x24: {  	_ =	swait.ge [sflag:s14], $0x10  }
0x25: {  	[sflag:s14] =	ssyncset.done $0x0  }
0x26: {  	[sflag:s14] =	ssyncadd.s32 $0xFFFFFFF0  }
0x27: {  	[tilespmem:s18], [sflag:$0x5] =	stream.linear.gather [hbm4b:s10+s3], $0x10, $0x38;
	[tilespmem:$0x17120] =	vst v63  }
0x28: {  	_ =	swait.ge [sflag:s14], $0x10  }
0x29: {  	[sflag:s14] =	ssyncset.done $0x0  }
0x2a: {  	[sflag:s14] =	ssyncadd.s32 $0xFFFFFFF0  }
0x2b: {  	[bflag:$0x0] =	sbarrier.arrive $0xFFFF  }
0x2c: {  	[tilespmem:s20], [sflag:$0x1] =	stream.indirect.gather [hbm4b:s4+s19], $0x30, s15, s19, $0xb8;
	[tilespmem:$0x17120] =	vst v63  }
0x2d: {  	_ =	swait.ge [sflag:s21], $0x1800  }
0x2e: {  	[sflag:s21] =	ssyncset.done $0x0  }
0x2f: {  	s16 =	simm.s32 $0x11700;
	[sflag:s21] =	ssyncadd.s32 $0xFFFFE800  }
0x30: {  	[spmem:s2] =	stream.indirect.scatter.add.bf16 [tilespmem:s20], [sflag:$0x3], $0x30, s16, s19, $0xb8;
	[tilespmem:$0x17120] =	vst v63  }
0x31: {  	s26 =	simm.s32 $0xF080  }
0x32: {  	[tilespmem:s22], [sflag:$0x2] =	stream.indirect.gather [hbm4b:s4+s19], $0x30, s26, s19, $0xb8;
	[tilespmem:$0x17120] =	vst v63  }
0x33: {  	_ =	swait.ge [sflag:s23], $0x1800  }
0x34: {  	[sflag:s23] =	ssyncset.done $0x0  }
0x35: {  	[sflag:s23] =	ssyncadd.s32 $0xFFFFE800  }
0x36: {  	_ =	swait.ge [sflag:s24], $0x1800  }
0x37: {  	[sflag:s24] =	ssyncset.done $0x0  }
0x38: {  	s16 =	simm.s32 $0x11780;
	[sflag:s24] =	ssyncadd.s32 $0xFFFFE800  }
0x39: {  	[spmem:s2] =	stream.indirect.scatter.add.bf16 [tilespmem:s22], [sflag:$0x4], $0x30, s16, s19, $0xb8;
	[tilespmem:$0x17120] =	vst v63  }
0x3a: {  	s26 =	simm.s32 $0xF100  }
0x3b: {  	[tilespmem:s20], [sflag:$0x1] =	stream.indirect.gather [hbm4b:s4+s19], $0x30, s26, s19, $0xb8;
	[tilespmem:$0x17120] =	vst v63  }
0x3c: {  	_ =	swait.ge [sflag:s25], $0x1800  }
0x3d: {  	s1 =	simm.s32 $0x400;
	[sflag:s25] =	ssyncset.done $0x0  }
.LBB2_2:
0x3e: {  	p0 =	sne.s32 s1, $0x9400  }
0x3f: {  	[sflag:s25] =	ssyncadd.s32 $0xFFFFE800;
	s16 =	smov.u32 s1;
	s1 =	sadd.s32 $0x400, s1  }
0x40: {  	_ = 	snop  }
0x41: {  	_ =	swait.ge [sflag:s21], $0x1800  }
0x42: {  	s16 =	sshra.s32 s16, $0x2;
	[sflag:s21] =	ssyncset.done $0x0  }
0x43: {  	s26 =	sadd.s32 $0x11700, s16;
	[sflag:s21] =	ssyncadd.s32 $0xFFFFE800  }
0x44: {  	[spmem:s2] =	stream.indirect.scatter.add.bf16 [tilespmem:s20], [sflag:$0x3], $0x30, s26, s19, $0xb8;
	[tilespmem:$0x17120] =	vst v63  }
0x45: {  	s26 =	sadd.s32 $0xF080, s16  }
0x46: {  	[tilespmem:s22], [sflag:$0x2] =	stream.indirect.gather [hbm4b:s4+s19], $0x30, s26, s19, $0xb8;
	[tilespmem:$0x17120] =	vst v63  }
0x47: {  	_ =	swait.ge [sflag:s23], $0x1800  }
0x48: {  	[sflag:s23] =	ssyncset.done $0x0  }
0x49: {  	[sflag:s23] =	ssyncadd.s32 $0xFFFFE800  }
0x4a: {  	_ =	swait.ge [sflag:s24], $0x1800  }
0x4b: {  	[sflag:s24] =	ssyncset.done $0x0  }
0x4c: {  	s26 =	sadd.s32 $0x11780, s16;
	[sflag:s24] =	ssyncadd.s32 $0xFFFFE800  }
0x4d: {  	[spmem:s2] =	stream.indirect.scatter.add.bf16 [tilespmem:s22], [sflag:$0x4], $0x30, s26, s19, $0xb8;
	[tilespmem:$0x17120] =	vst v63  }
.Ltmp0:
0x4e: {  	_ = 	snop;
	(pc) =	sbr.rel @p0 .LBB2_2-.Ltmp0, $4  }
0x4f: {  	s16 =	sadd.s32 $0xF100, s16  }
0x50: {  	[tilespmem:s20], [sflag:$0x1] =	stream.indirect.gather [hbm4b:s4+s19], $0x30, s16, s19, $0xb8;
	[tilespmem:$0x17120] =	vst v63  }
0x51: {  	_ =	swait.ge [sflag:s25], $0x1800  }
0x52: {  	[sflag:s25] =	ssyncset.done $0x0  }
0x53: {  	[sflag:s25] =	ssyncadd.s32 $0xFFFFE800  }
0x54: {  	_ =	swait.ge [sflag:s21], $0x1800  }
0x55: {  	[sflag:s21] =	ssyncset.done $0x0  }
0x56: {  	s1 =	simm.s32 $0x13D00;
	[sflag:s21] =	ssyncadd.s32 $0xFFFFE800  }
0x57: {  	[spmem:s2] =	stream.indirect.scatter.add.bf16 [tilespmem:s20], [sflag:$0x3], $0x30, s1, s19, $0xb8;
	[tilespmem:$0x17120] =	vst v63  }
0x58: {  	_ = 	snop  }
0x59: {  	[tilespmem:s22], [sflag:$0x2] =	stream.indirect.gather [hbm4b:s4+s19], $0x30, s28, s19, $0xb8;
	[tilespmem:$0x17120] =	vst v63  }
0x5a: {  	_ =	swait.ge [sflag:s23], $0x1800  }
0x5b: {  	[sflag:s23] =	ssyncset.done $0x0  }
0x5c: {  	[sflag:s23] =	ssyncadd.s32 $0xFFFFE800  }
0x5d: {  	_ =	swait.ge [sflag:s24], $0x1800  }
0x5e: {  	[sflag:s24] =	ssyncset.done $0x0  }
0x5f: {  	[sflag:s24] =	ssyncadd.s32 $0xFFFFE800  }
0x60: {  	[spmem:s2] =	stream.indirect.scatter.add.bf16 [tilespmem:s22], [sflag:$0x4], $0x30, s29, s19, $0xb8;
	[tilespmem:$0x17120] =	vst v63  }
0x61: {  	_ =	swait.ge [sflag:s25], $0x1800  }
0x62: {  	[sflag:s25] =	ssyncset.done $0x0  }
0x63: {  	[sflag:s25] =	ssyncadd.s32 $0xFFFFE800  }
0x64: {  	[tilespmem:s31], [sflag:$0x5] =	stream.indirect.gather [hbm4b:s4+s30], $0x30, s17, s30, $0xb8;
	[tilespmem:$0x17120] =	vst v63  }
0x65: {  	_ =	swait.ge [sflag:s14], $0x300  }
0x66: {  	[sflag:s14] =	ssyncset.done $0x0  }
0x67: {  	[sflag:s14] =	ssyncadd.s32 $0xFFFFFD00  }
0x68: {  	[spmem:s2] =	stream.indirect.scatter.add.bf16 [tilespmem:s31], [sflag:$0x5], $0x30, s18, s30, $0xb8;
	[tilespmem:$0x17120] =	vst v63  }
0x69: {  	_ =	swait.ge [sflag:s14], $0x300  }
0x6a: {  	[sflag:s14] =	ssyncset.done $0x0  }
0x6b: {  	[sflag:s14] =	ssyncadd.s32 $0xFFFFFD00  }
0x6c: {  	[bflag:$0x0] =	sbarrier.arrive $0xFFFF  }
0x6d: {  	[tilespmem:s13], [sflag:$0x5] =	stream.linear.gather [spmem:s6], $0x7800, $0x38;
	[tilespmem:$0x17120] =	vst v63  }
0x6e: {  	s0 =	sadd.s32 $0x1, s0;
	_ =	swait.ge [sflag:s14], $0x7800  }
0x6f: {  	p0 =	sne.s32 s0, s12;
	[sflag:s14] =	ssyncset.done $0x0  }
.Ltmp1:
0x70: {  	[sflag:s14] =	ssyncadd.s32 $0xFFFF8800;
	(pc) =	sbr.rel @p0 .LBB2_1-.Ltmp1, $4  }
0x71: {  	[hbm4b:s11+s3] =	stream.linear.scatter [tilespmem:s13], [sflag:$0x5], $0x7800, $0x38;
	[tilespmem:$0x17120] =	vst v63  }
0x72: {  	_ =	swait.ge [sflag:s14], $0x7800  }
0x73: {  	[sflag:s14] =	ssyncset.done $0x0  }
0x74: {  	[sflag:s14] =	ssyncadd.s32 $0xFFFF8800  }
0x75: {  	_ =	sfence.sel $0x180000  }
0x76: {  	[bflag:$0x0] =	sbarrier.arrive $0xFFFF  }
0x77: {  	_ =	strace $0x90000047  }
0x78: {  	s0 =	stileid.u32;
	[bflag:$0x2] =	sbarrier.arrive $0xFFFF  }
0x79: {  	p0 =	sne.s32 s0, $0x0;
	s0 =	rddreg [dreg:$0x2]  }
0x7a: {  	s0 =	sadd.s32 @!p0 $0x100000, s0  }
0x7b: {  	[sflag:s0] =	ssyncadd.tile.s32 @!p0 $0x1;
	_ =	shalt  }
.Lfunc_end2:
_tile_overlayer_lowered:
.L_overlay_start_2:
0x7c: {  	(tag) =	ssettag $0x2  }
0x7d: {  	s0 =	rddreg [dreg:$0x0];
	s2 =	stileid.u32  }
0x7e: {  	s1 =	rddreg [dreg:$0x1];
	p0 =	sne.s32 s2, $0x0  }
0x7f: {  	s3 =	rddreg [dreg:$0x2];
	[bflag:$0x3] =	sbarrier.arrive $0xFFFF;
	s2 =	simm.s32 @!p0 $0x1C05  }
0x80: {  	[timem:s3], [sflag:s2] =	dma.local @!p0 [hbm:s0], s1  }
0x81: {  	s0 =	simm.s32 @!p0 $0x5  }
0x82: {  	_ =	swait.ge @!p0 [sflag:s0], s1  }
0x83: {  	s1 =	ssub.s32 @!p0 $0x0, s1;
	[sflag:s0] =	ssyncset.done @!p0 $0x0  }
0x84: {  	[sflag:s0] =	ssyncadd.s32 @!p0 s1  }
0x85: {  	[bflag:$0x3] =	sbarrier.arrive $0xFFFF  }
0x86: {  	_ =	shalt  }

</sc_bundles>
